<compile_context>
chip_gen: v7x
topology: tpu7x:2x2x1
jax: 0.10.2.dev20260603
libtpu: 0.0.44.dev20260713+nightly
codegen_flags: <defaults>
</compile_context>

<pallas_src>
import functools

import jax
import jax.numpy as jnp
from jax import lax
from jax.experimental import pallas as pl
from jax.experimental.pallas import tpu as pltpu
from jax.experimental.pallas import tpu_sc as plsc

B = 16384
D = 16
V = 1000000
V8 = V * D // 128

_NC, _NS = 2, 16
_NW = _NC * _NS
_BPW = B // _NW
_NG = _BPW // 16


def _extract(idx_v, rows_v, out_v, f0):
  lanes = lax.iota(jnp.int32, 16)

  def body(g, _):
    j0 = g * 16
    idx16 = idx_v[pl.ds(j0, 16)]
    off = (idx16 & 7) << 4
    rows = j0 + lanes
    for f in range(D):
      vals = plsc.load_gather(rows_v, [rows, off + f])
      out_v[f0 + f, pl.ds(j0, 16)] = vals
    return 0

  lax.fori_loop(0, _NG, body, 0, unroll=False)


def _sc_gather_body(x0_hbm, x1_hbm, x2_hbm, x3_hbm,
                    t0_hbm, t1_hbm, t2_hbm, t3_hbm,
                    gu_hbm, gi_hbm, x_hbm,
                    i0_v, i1_v, i2_v, i3_v,
                    i8_v, rows_v, gu_v, gi_v, x_v,
                    sem):
  wid = lax.axis_index("s") * _NC + lax.axis_index("c")
  base = wid * _BPW

  def one_table(t_hbm, idx_hbm, idx_v, out_v, f0):
    pltpu.sync_copy(idx_hbm.at[pl.ds(base, _BPW)], idx_v)

    def i8body(i, _):
      i8_v[pl.ds(i * 16, 16)] = idx_v[pl.ds(i * 16, 16)] >> 3
      return 0

    lax.fori_loop(0, _BPW // 16, i8body, 0, unroll=False)
    pltpu.async_copy(t_hbm.at[i8_v], rows_v, sem).wait()
    _extract(idx_v, rows_v, out_v, f0)

  for t_hbm, idx_hbm, idx_v, out_v, f0 in (
      (t0_hbm, x0_hbm, i0_v, gu_v, 0),
      (t1_hbm, x1_hbm, i1_v, gi_v, 0),
      (t2_hbm, x2_hbm, i2_v, x_v, 0),
      (t3_hbm, x3_hbm, i3_v, x_v, D),
  ):
    one_table(t_hbm, idx_hbm, idx_v, out_v, f0)

  pltpu.sync_copy(gu_v, gu_hbm.at[pl.ds(0, D), pl.ds(base, _BPW)])
  pltpu.sync_copy(gi_v, gi_hbm.at[pl.ds(0, D), pl.ds(base, _BPW)])
  pltpu.sync_copy(x_v, x_hbm.at[pl.ds(0, 2 * D), pl.ds(base, _BPW)])


_sc_gather = functools.partial(
    pl.kernel,
    mesh=plsc.VectorSubcoreMesh(core_axis_name="c", subcore_axis_name="s"),
    compiler_params=pltpu.CompilerParams(needs_layout_passes=False),
    out_type=[
        jax.ShapeDtypeStruct((D, B), jnp.float32),
        jax.ShapeDtypeStruct((D, B), jnp.float32),
        jax.ShapeDtypeStruct((2 * D, B), jnp.float32),
    ],
    scratch_types=(
        [pltpu.VMEM((_BPW,), jnp.int32)] * 5
        + [pltpu.VMEM((_BPW, 128), jnp.float32)]
        + [pltpu.VMEM((D, _BPW), jnp.float32)] * 2
        + [pltpu.VMEM((2 * D, _BPW), jnp.float32)]
        + [pltpu.SemaphoreType.DMA]
    ),
)(_sc_gather_body)


_COLS = 1024


def _tc_head_body(gu, gi, xt, w1t, b1c, w2t, b2c, gwf, w3f, cb, out):
  f32 = jnp.float32
  g = gu[...] * gi[...]
  h1 = jnp.maximum(
      jnp.dot(w1t[...], xt[...], preferred_element_type=f32) + b1c[...], 0.0)
  h2 = jnp.maximum(
      jnp.dot(w2t[...], h1, preferred_element_type=f32) + b2c[...], 0.0)
  z = jnp.dot(gwf[...], g, preferred_element_type=f32)
  z = z + jnp.dot(w3f[...], h2, preferred_element_type=f32) + cb[...]
  out[...] = jax.nn.sigmoid(z)


def _tc_head(gu, gi, xt, w1t, b1c, w2t, b2c, gwf, w3f, cb):
  n_steps = B // _COLS
  col = lambda r: pl.BlockSpec((r, _COLS), lambda i: (0, i))
  full = lambda a: pl.BlockSpec(a.shape, lambda i: (0,) * a.ndim)
  return pl.pallas_call(
      _tc_head_body,
      grid=(n_steps,),
      in_specs=[col(D), col(D), col(2 * D), full(w1t), full(b1c),
                full(w2t), full(b2c), full(gwf), full(w3f), full(cb)],
      out_specs=pl.BlockSpec((1, _COLS), lambda i: (0, i)),
      out_shape=jax.ShapeDtypeStruct((1, B), jnp.float32),
  )(gu, gi, xt, w1t, b1c, w2t, b2c, gwf, w3f, cb)


def kernel(x0, x1, x2, x3, gmf_user_emb, gmf_item_emb, gmf_w, gmf_b,
           mlp_user_emb, mlp_item_emb, w1, b1, w2, b2, w3, b3, cls_w, cls_b):
  i0 = x0.reshape(B).astype(jnp.int32)
  i1 = x1.reshape(B).astype(jnp.int32)
  i2 = x2.reshape(B).astype(jnp.int32)
  i3 = x3.reshape(B).astype(jnp.int32)

  t0 = gmf_user_emb.reshape(V8, 128)
  t1 = gmf_item_emb.reshape(V8, 128)
  t2 = mlp_user_emb.reshape(V8, 128)
  t3 = mlp_item_emb.reshape(V8, 128)

  gu, gi, xt = _sc_gather(i0, i1, i2, i3, t0, t1, t2, t3)

  cw0 = cls_w[0, 0]
  cw1 = cls_w[1, 0]
  w1t = w1.T
  b1c = b1.reshape(2 * D, 1)
  w2t = w2.T
  b2c = b2.reshape(D, 1)
  gwf = (gmf_w * cw0).T
  w3f = (w3 * cw1).T
  cb = jnp.full((1, 1), gmf_b[0] * cw0 + b3[0] * cw1 + cls_b[0],
                dtype=jnp.float32)

  out = _tc_head(gu, gi, xt, w1t, b1c, w2t, b2c, gwf, w3f, cb)
  return out.reshape(B, 1)

# --- scband reference (transcript-rebuilt; emitter-appended) ---
"""Pipeline reference for scband-neu-mf-53635551592982 (READ-ONLY COPY).

The authoritative reference and input builder live on the scoring server;
editing this copy changes nothing except your own understanding.
"""

import jax, jax.numpy as jnp
import numpy as np

B = 16384
V = 1000000
D = 16


def setup_inputs(seed: int = 0) -> dict:
    key = jax.random.key(seed)
    ks = jax.random.split(key, 16)
    x0 = jax.random.randint(ks[0], (B, 1), 0, V)
    x1 = jax.random.randint(ks[1], (B, 1), 0, V)
    x2 = jax.random.randint(ks[2], (B, 1), 0, V)
    x3 = jax.random.randint(ks[3], (B, 1), 0, V)
    gmf_user_emb = jax.random.normal(ks[4], (V, D), dtype=jnp.float32) * 0.01
    gmf_item_emb = jax.random.normal(ks[5], (V, D), dtype=jnp.float32) * 0.01
    gmf_w = jax.random.normal(ks[6], (D, 1), dtype=jnp.float32) * 0.1
    gmf_b = jnp.zeros((1,), jnp.float32)
    mlp_user_emb = jax.random.normal(ks[7], (V, D), dtype=jnp.float32) * 0.01
    mlp_item_emb = jax.random.normal(ks[8], (V, D), dtype=jnp.float32) * 0.01
    w1 = jax.random.normal(ks[9], (2 * D, 2 * D), dtype=jnp.float32) * 0.1
    b1 = jnp.zeros((2 * D,), jnp.float32)
    w2 = jax.random.normal(ks[10], (2 * D, D), dtype=jnp.float32) * 0.1
    b2 = jnp.zeros((D,), jnp.float32)
    w3 = jax.random.normal(ks[11], (D, 1), dtype=jnp.float32) * 0.1
    b3 = jnp.zeros((1,), jnp.float32)
    cls_w = jax.random.normal(ks[12], (2, 1), dtype=jnp.float32) * 0.1
    cls_b = jnp.zeros((1,), jnp.float32)
    return {
        "x0": x0, "x1": x1, "x2": x2, "x3": x3,
        "gmf_user_emb": gmf_user_emb, "gmf_item_emb": gmf_item_emb,
        "gmf_w": gmf_w, "gmf_b": gmf_b,
        "mlp_user_emb": mlp_user_emb, "mlp_item_emb": mlp_item_emb,
        "w1": w1, "b1": b1, "w2": w2, "b2": b2, "w3": w3, "b3": b3,
        "cls_w": cls_w, "cls_b": cls_b,
    }


def reference(x0, x1, x2, x3, gmf_user_emb, gmf_item_emb, gmf_w, gmf_b,
              mlp_user_emb, mlp_item_emb, w1, b1, w2, b2, w3, b3, cls_w, cls_b):
    # GMF branch: embedding lookups [B,1,D], elementwise product, linear D->1
    gu = jnp.take(gmf_user_emb, x0, axis=0)  # [B,1,D]
    gi = jnp.take(gmf_item_emb, x1, axis=0)  # [B,1,D]
    g = gu * gi                               # [B,1,D]
    g = jnp.einsum('bld,do->blo', g, gmf_w) + gmf_b  # [B,1,1]
    gmf = jnp.squeeze(g, axis=2)              # [B,1]  (matches .squeeze(dim=2))
    # MLP branch: embedding lookups, concat, 3-layer MLP -> [B,1]
    mu = jnp.take(mlp_user_emb, x2[:, 0], axis=0)  # [B,D]
    mi = jnp.take(mlp_item_emb, x3[:, 0], axis=0)  # [B,D]
    h = jnp.concatenate([mu, mi], axis=1)          # [B,2D]
    h = jax.nn.relu(h @ w1 + b1)
    h = jax.nn.relu(h @ w2 + b2)
    mlp = h @ w3 + b3                              # [B,1]
    cat = jnp.concatenate([gmf, mlp], axis=1)      # [B,2]
    out = jax.nn.sigmoid(cat @ cls_w + cls_b)      # [B,1]
    return out

if __name__ == "__main__":
    import jax
    _d = setup_inputs()
    print(jax.jit(kernel)(*tuple(_d.values())))

</pallas_src>

<mosaic_0001>
#map = affine_map<(d0, d1) -> (0)>
#map1 = affine_map<(d0, d1) -> (0, 0)>
module attributes {stable_mosaic.version = 14 : i64} {
  func.func @_sc_gather_body(%arg0: i32, %arg1: i32, %arg2: memref<16384xi32, #tpu.memory_space<hbm>>, %arg3: memref<16384xi32, #tpu.memory_space<hbm>>, %arg4: memref<16384xi32, #tpu.memory_space<hbm>>, %arg5: memref<16384xi32, #tpu.memory_space<hbm>>, %arg6: memref<125000x128xf32, #tpu.memory_space<hbm>>, %arg7: memref<125000x128xf32, #tpu.memory_space<hbm>>, %arg8: memref<125000x128xf32, #tpu.memory_space<hbm>>, %arg9: memref<125000x128xf32, #tpu.memory_space<hbm>>, %arg10: memref<16x16384xf32, #tpu.memory_space<hbm>>, %arg11: memref<16x16384xf32, #tpu.memory_space<hbm>>, %arg12: memref<32x16384xf32, #tpu.memory_space<hbm>>, %arg13: memref<512xi32, #tpu.memory_space<vmem>>, %arg14: memref<512xi32, #tpu.memory_space<vmem>>, %arg15: memref<512xi32, #tpu.memory_space<vmem>>, %arg16: memref<512xi32, #tpu.memory_space<vmem>>, %arg17: memref<512xi32, #tpu.memory_space<vmem>>, %arg18: memref<512x128xf32, #tpu.memory_space<vmem>>, %arg19: memref<16x512xf32, #tpu.memory_space<vmem>>, %arg20: memref<16x512xf32, #tpu.memory_space<vmem>>, %arg21: memref<32x512xf32, #tpu.memory_space<vmem>>, %arg22: memref<!tpu.dma_semaphore, #tpu.memory_space<semaphore_mem>>) attributes {dimension_semantics = [#tpu.dimension_semantics<core_parallel>, #tpu.dimension_semantics<subcore_parallel>], iteration_bounds = array<i64: 2, 16>, scalar_prefetch = 0 : i64, scratch_operands = 10 : i64, tpu.core_type = #tpu.core_type<sc_vector_subcore>, window_params = [{transform_indices = #map}, {transform_indices = #map}, {transform_indices = #map}, {transform_indices = #map}, {transform_indices = #map1}, {transform_indices = #map1}, {transform_indices = #map1}, {transform_indices = #map1}, {transform_indices = #map1}, {transform_indices = #map1}, {transform_indices = #map1}]} {
    %mul3A = arith.constant 2 : i32
    %mul3A_0 = arith.muli %arg1, %mul3A : i32
    %add3A = arith.addi %mul3A_0, %arg0 : i32
    %mul3A_1 = arith.constant 512 : i32
    %mul3A_2 = arith.muli %add3A, %mul3A_1 : i32
    "tpu.region"() ({
      %run_scoped3A = tpu.sem_alloc : memref<!tpu.dma_semaphore, #tpu.memory_space<semaphore_mem>>
      %dma_start3A_83 = tpu.memref_slice %arg2[%mul3A_2] : memref<16384xi32, #tpu.memory_space<hbm>> -> memref<512xi32, #tpu.memory_space<hbm>>
      %dma_start3A_84 = tpu.memref_slice %arg2[%mul3A_2] : memref<16384xi32, #tpu.memory_space<hbm>> -> memref<512xi32, #tpu.memory_space<hbm>>
      tpu.enqueue_dma source(%dma_start3A_84 : memref<512xi32, #tpu.memory_space<hbm>>) target(%arg13 : memref<512xi32, #tpu.memory_space<vmem>>) target_semaphore(%run_scoped3A : memref<!tpu.dma_semaphore, #tpu.memory_space<semaphore_mem>>)
      %dma_wait3A_85 = tpu.memref_slice %arg2[%mul3A_2] : memref<16384xi32, #tpu.memory_space<hbm>> -> memref<512xi32, #tpu.memory_space<hbm>>
      %dma_wait3A_86 = tpu.memref_slice %arg2[%mul3A_2] : memref<16384xi32, #tpu.memory_space<hbm>> -> memref<512xi32, #tpu.memory_space<hbm>>
      tpu.wait_dma2 semaphore(%run_scoped3A : memref<!tpu.dma_semaphore, #tpu.memory_space<semaphore_mem>>) src(%dma_wait3A_86 : memref<512xi32, #tpu.memory_space<hbm>>) dst(%arg13 : memref<512xi32, #tpu.memory_space<vmem>>)
      tpu.yield
    }) : () -> ()
    %scan3A = arith.constant 0 : i32
    %scan3A_3 = arith.constant 0 : i32
    %scan3A_4 = arith.constant 32 : i32
    %scan3A_5 = arith.addi %scan3A_3, %scan3A_4 : i32
    %scan3A_6 = arith.constant 1 : i32
    %scan3A_7 = scf.for %scan3A_83 = %scan3A_3 to %scan3A_5 step %scan3A_6 iter_args(%scan3A_84 = %scan3A) -> (i32)  : i32 {
      %mul3A_85 = arith.constant 16 : i32
      %mul3A_86 = arith.muli %scan3A_83, %mul3A_85 : i32
      %get3A = arith.index_cast %mul3A_86 : i32 to index
      %get3A_87 = tpu.vector_load %arg13[%get3A] {strides = array<i32>} : memref<512xi32, #tpu.memory_space<vmem>>, vector<16xi32>,
      %shift_right_arithmetic3A = arith.constant 3 : i32
      %shift_right_arithmetic3A_88 = vector.broadcast %shift_right_arithmetic3A : i32 to vector<16xi32>
      %shift_right_arithmetic3A_89 = arith.shrsi %get3A_87, %shift_right_arithmetic3A_88 : vector<16xi32>
      %mul3A_90 = arith.constant 16 : i32
      %mul3A_91 = arith.muli %scan3A_83, %mul3A_90 : i32
      %swap3A = arith.index_cast %mul3A_91 : i32 to index
      %swap3A_92 = tpu.vector_load %arg17[%swap3A] {strides = array<i32>} : memref<512xi32, #tpu.memory_space<vmem>>, vector<16xi32>,
      tpu.vector_store %arg17[%swap3A], %shift_right_arithmetic3A_89 {strides = array<i32>} : memref<512xi32, #tpu.memory_space<vmem>>, vector<16xi32>,
      %scan3A_93 = arith.constant 0 : i32
      scf.yield %scan3A_93 : i32
    }
    %scan3A_8 = arith.constant 32 : i32
    %dma_start3A = arith.constant 0 : i32
    %dma_start3A_9 = arith.constant 0 : i32
    %dma_start3A_10 = tpu.memref_slice %arg6[%dma_start3A, %dma_start3A_9] : memref<125000x128xf32, #tpu.memory_space<hbm>> -> memref<125000x128xf32, #tpu.memory_space<hbm>>
    tpu.enqueue_indirect_dma source(%dma_start3A_10 : memref<125000x128xf32, #tpu.memory_space<hbm>>) target(%arg18 : memref<512x128xf32, #tpu.memory_space<vmem>>) offsets(%arg17 : memref<512xi32, #tpu.memory_space<vmem>>) semaphore(%arg22 : memref<!tpu.dma_semaphore, #tpu.memory_space<semaphore_mem>>)
    %dma_wait3A = arith.constant 0 : i32
    %dma_wait3A_11 = arith.constant 0 : i32
    %dma_wait3A_12 = tpu.memref_slice %arg6[%dma_wait3A, %dma_wait3A_11] : memref<125000x128xf32, #tpu.memory_space<hbm>> -> memref<125000x128xf32, #tpu.memory_space<hbm>>
    tpu.wait_indirect_dma semaphore(%arg22 : memref<!tpu.dma_semaphore, #tpu.memory_space<semaphore_mem>>) src(%dma_wait3A_12 : memref<125000x128xf32, #tpu.memory_space<hbm>>) dst(%arg18 : memref<512x128xf32, #tpu.memory_space<vmem>>)
    %iota3A = tpu.iota {dimensions = array<i32: 0>} : vector<16xi32>
    %scan3A_13 = arith.constant 0 : i32
    %scan3A_14 = arith.constant 0 : i32
    %scan3A_15 = arith.constant 32 : i32
    %scan3A_16 = arith.addi %scan3A_14, %scan3A_15 : i32
    %scan3A_17 = arith.constant 1 : i32
    %scan3A_18 = scf.for %scan3A_83 = %scan3A_14 to %scan3A_16 step %scan3A_17 iter_args(%scan3A_84 = %scan3A_13) -> (i32)  : i32 {
      %mul3A_85 = arith.constant 16 : i32
      %mul3A_86 = arith.muli %scan3A_83, %mul3A_85 : i32
      %get3A = arith.index_cast %mul3A_86 : i32 to index
      %get3A_87 = tpu.vector_load %arg13[%get3A] {strides = array<i32>} : memref<512xi32, #tpu.memory_space<vmem>>, vector<16xi32>,
      %and3A = arith.constant 7 : i32
      %and3A_88 = vector.broadcast %and3A : i32 to vector<16xi32>
      %and3A_89 = arith.andi %get3A_87, %and3A_88 : vector<16xi32>
      %shift_left3A = arith.constant 4 : i32
      %shift_left3A_90 = vector.broadcast %shift_left3A : i32 to vector<16xi32>
      %shift_left3A_91 = arith.shli %and3A_89, %shift_left3A_90 : vector<16xi32>
      %add3A_92 = vector.broadcast %mul3A_86 : i32 to vector<16xi32>
      %add3A_93 = arith.addi %add3A_92, %iota3A : vector<16xi32>
      %add3A_94 = arith.constant 0 : i32
      %add3A_95 = vector.broadcast %add3A_94 : i32 to vector<16xi32>
      %add3A_96 = arith.addi %shift_left3A_91, %add3A_95 : vector<16xi32>
      %gather3A = tpu.vector_load_idx %arg18[%add3A_93, %add3A_96] : memref<512x128xf32, #tpu.memory_space<vmem>>[vector<16xi32>, vector<16xi32>], vector<16xf32>,
      %swap3A = arith.constant 0 : i32
      %swap3A_97 = arith.index_cast %swap3A : i32 to index
      %swap3A_98 = arith.index_cast %mul3A_86 : i32 to index
      %swap3A_99 = tpu.vector_load %arg19[%swap3A_97, %swap3A_98] {strides = array<i32>} : memref<16x512xf32, #tpu.memory_space<vmem>>, vector<16xf32>,
      tpu.vector_store %arg19[%swap3A_97, %swap3A_98], %gather3A {strides = array<i32>} : memref<16x512xf32, #tpu.memory_space<vmem>>, vector<16xf32>,
      %add3A_100 = arith.constant 1 : i32
      %add3A_101 = vector.broadcast %add3A_100 : i32 to vector<16xi32>
      %add3A_102 = arith.addi %shift_left3A_91, %add3A_101 : vector<16xi32>
      %gather3A_103 = tpu.vector_load_idx %arg18[%add3A_93, %add3A_102] : memref<512x128xf32, #tpu.memory_space<vmem>>[vector<16xi32>, vector<16xi32>], vector<16xf32>,
      %swap3A_104 = arith.constant 1 : i32
      %swap3A_105 = arith.index_cast %swap3A_104 : i32 to index
      %swap3A_106 = arith.index_cast %mul3A_86 : i32 to index
      %swap3A_107 = tpu.vector_load %arg19[%swap3A_105, %swap3A_106] {strides = array<i32>} : memref<16x512xf32, #tpu.memory_space<vmem>>, vector<16xf32>,
      tpu.vector_store %arg19[%swap3A_105, %swap3A_106], %gather3A_103 {strides = array<i32>} : memref<16x512xf32, #tpu.memory_space<vmem>>, vector<16xf32>,
      %add3A_108 = arith.constant 2 : i32
      %add3A_109 = vector.broadcast %add3A_108 : i32 to vector<16xi32>
      %add3A_110 = arith.addi %shift_left3A_91, %add3A_109 : vector<16xi32>
      %gather3A_111 = tpu.vector_load_idx %arg18[%add3A_93, %add3A_110] : memref<512x128xf32, #tpu.memory_space<vmem>>[vector<16xi32>, vector<16xi32>], vector<16xf32>,
      %swap3A_112 = arith.constant 2 : i32
      %swap3A_113 = arith.index_cast %swap3A_112 : i32 to index
      %swap3A_114 = arith.index_cast %mul3A_86 : i32 to index
      %swap3A_115 = tpu.vector_load %arg19[%swap3A_113, %swap3A_114] {strides = array<i32>} : memref<16x512xf32, #tpu.memory_space<vmem>>, vector<16xf32>,
      tpu.vector_store %arg19[%swap3A_113, %swap3A_114], %gather3A_111 {strides = array<i32>} : memref<16x512xf32, #tpu.memory_space<vmem>>, vector<16xf32>,
      %add3A_116 = arith.constant 3 : i32
      %add3A_117 = vector.broadcast %add3A_116 : i32 to vector<16xi32>
      %add3A_118 = arith.addi %shift_left3A_91, %add3A_117 : vector<16xi32>
      %gather3A_119 = tpu.vector_load_idx %arg18[%add3A_93, %add3A_118] : memref<512x128xf32, #tpu.memory_space<vmem>>[vector<16xi32>, vector<16xi32>], vector<16xf32>,
      %swap3A_120 = arith.constant 3 : i32
      %swap3A_121 = arith.index_cast %swap3A_120 : i32 to index
      %swap3A_122 = arith.index_cast %mul3A_86 : i32 to index
      %swap3A_123 = tpu.vector_load %arg19[%swap3A_121, %swap3A_122] {strides = array<i32>} : memref<16x512xf32, #tpu.memory_space<vmem>>, vector<16xf32>,
      tpu.vector_store %arg19[%swap3A_121, %swap3A_122], %gather3A_119 {strides = array<i32>} : memref<16x512xf32, #tpu.memory_space<vmem>>, vector<16xf32>,
      %add3A_124 = arith.constant 4 : i32
      %add3A_125 = vector.broadcast %add3A_124 : i32 to vector<16xi32>
      %add3A_126 = arith.addi %shift_left3A_91, %add3A_125 : vector<16xi32>
      %gather3A_127 = tpu.vector_load_idx %arg18[%add3A_93, %add3A_126] : memref<512x128xf32, #tpu.memory_space<vmem>>[vector<16xi32>, vector<16xi32>], vector<16xf32>,
      %swap3A_128 = arith.constant 4 : i32
      %swap3A_129 = arith.index_cast %swap3A_128 : i32 to index
      %swap3A_130 = arith.index_cast %mul3A_86 : i32 to index
      %swap3A_131 = tpu.vector_load %arg19[%swap3A_129, %swap3A_130] {strides = array<i32>} : memref<16x512xf32, #tpu.memory_space<vmem>>, vector<16xf32>,
      tpu.vector_store %arg19[%swap3A_129, %swap3A_130], %gather3A_127 {strides = array<i32>} : memref<16x512xf32, #tpu.memory_space<vmem>>, vector<16xf32>,
      %add3A_132 = arith.constant 5 : i32
      %add3A_133 = vector.broadcast %add3A_132 : i32 to vector<16xi32>
      %add3A_134 = arith.addi %shift_left3A_91, %add3A_133 : vector<16xi32>
      %gather3A_135 = tpu.vector_load_idx %arg18[%add3A_93, %add3A_134] : memref<512x128xf32, #tpu.memory_space<vmem>>[vector<16xi32>, vector<16xi32>], vector<16xf32>,
      %swap3A_136 = arith.constant 5 : i32
      %swap3A_137 = arith.index_cast %swap3A_136 : i32 to index
      %swap3A_138 = arith.index_cast %mul3A_86 : i32 to index
      %swap3A_139 = tpu.vector_load %arg19[%swap3A_137, %swap3A_138] {strides = array<i32>} : memref<16x512xf32, #tpu.memory_space<vmem>>, vector<16xf32>,
      tpu.vector_store %arg19[%swap3A_137, %swap3A_138], %gather3A_135 {strides = array<i32>} : memref<16x512xf32, #tpu.memory_space<vmem>>, vector<16xf32>,
      %add3A_140 = arith.constant 6 : i32
      %add3A_141 = vector.broadcast %add3A_140 : i32 to vector<16xi32>
      %add3A_142 = arith.addi %shift_left3A_91, %add3A_141 : vector<16xi32>
      %gather3A_143 = tpu.vector_load_idx %arg18[%add3A_93, %add3A_142] : memref<512x128xf32, #tpu.memory_space<vmem>>[vector<16xi32>, vector<16xi32>], vector<16xf32>,
      %swap3A_144 = arith.constant 6 : i32
      %swap3A_145 = arith.index_cast %swap3A_144 : i32 to index
      %swap3A_146 = arith.index_cast %mul3A_86 : i32 to index
      %swap3A_147 = tpu.vector_load %arg19[%swap3A_145, %swap3A_146] {strides = array<i32>} : memref<16x512xf32, #tpu.memory_space<vmem>>, vector<16xf32>,
      tpu.vector_store %arg19[%swap3A_145, %swap3A_146], %gather3A_143 {strides = array<i32>} : memref<16x512xf32, #tpu.memory_space<vmem>>, vector<16xf32>,
      %add3A_148 = arith.constant 7 : i32
      %add3A_149 = vector.broadcast %add3A_148 : i32 to vector<16xi32>
      %add3A_150 = arith.addi %shift_left3A_91, %add3A_149 : vector<16xi32>
      %gather3A_151 = tpu.vector_load_idx %arg18[%add3A_93, %add3A_150] : memref<512x128xf32, #tpu.memory_space<vmem>>[vector<16xi32>, vector<16xi32>], vector<16xf32>,
      %swap3A_152 = arith.constant 7 : i32
      %swap3A_153 = arith.index_cast %swap3A_152 : i32 to index
      %swap3A_154 = arith.index_cast %mul3A_86 : i32 to index
      %swap3A_155 = tpu.vector_load %arg19[%swap3A_153, %swap3A_154] {strides = array<i32>} : memref<16x512xf32, #tpu.memory_space<vmem>>, vector<16xf32>,
      tpu.vector_store %arg19[%swap3A_153, %swap3A_154], %gather3A_151 {strides = array<i32>} : memref<16x512xf32, #tpu.memory_space<vmem>>, vector<16xf32>,
      %add3A_156 = arith.constant 8 : i32
      %add3A_157 = vector.broadcast %add3A_156 : i32 to vector<16xi32>
      %add3A_158 = arith.addi %shift_left3A_91, %add3A_157 : vector<16xi32>
      %gather3A_159 = tpu.vector_load_idx %arg18[%add3A_93, %add3A_158] : memref<512x128xf32, #tpu.memory_space<vmem>>[vector<16xi32>, vector<16xi32>], vector<16xf32>,
      %swap3A_160 = arith.constant 8 : i32
      %swap3A_161 = arith.index_cast %swap3A_160 : i32 to index
      %swap3A_162 = arith.index_cast %mul3A_86 : i32 to index
      %swap3A_163 = tpu.vector_load %arg19[%swap3A_161, %swap3A_162] {strides = array<i32>} : memref<16x512xf32, #tpu.memory_space<vmem>>, vector<16xf32>,
      tpu.vector_store %arg19[%swap3A_161, %swap3A_162], %gather3A_159 {strides = array<i32>} : memref<16x512xf32, #tpu.memory_space<vmem>>, vector<16xf32>,
      %add3A_164 = arith.constant 9 : i32
      %add3A_165 = vector.broadcast %add3A_164 : i32 to vector<16xi32>
      %add3A_166 = arith.addi %shift_left3A_91, %add3A_165 : vector<16xi32>
      %gather3A_167 = tpu.vector_load_idx %arg18[%add3A_93, %add3A_166] : memref<512x128xf32, #tpu.memory_space<vmem>>[vector<16xi32>, vector<16xi32>], vector<16xf32>,
      %swap3A_168 = arith.constant 9 : i32
      %swap3A_169 = arith.index_cast %swap3A_168 : i32 to index
      %swap3A_170 = arith.index_cast %mul3A_86 : i32 to index
      %swap3A_171 = tpu.vector_load %arg19[%swap3A_169, %swap3A_170] {strides = array<i32>} : memref<16x512xf32, #tpu.memory_space<vmem>>, vector<16xf32>,
      tpu.vector_store %arg19[%swap3A_169, %swap3A_170], %gather3A_167 {strides = array<i32>} : memref<16x512xf32, #tpu.memory_space<vmem>>, vector<16xf32>,
      %add3A_172 = arith.constant 10 : i32
      %add3A_173 = vector.broadcast %add3A_172 : i32 to vector<16xi32>
      %add3A_174 = arith.addi %shift_left3A_91, %add3A_173 : vector<16xi32>
      %gather3A_175 = tpu.vector_load_idx %arg18[%add3A_93, %add3A_174] : memref<512x128xf32, #tpu.memory_space<vmem>>[vector<16xi32>, vector<16xi32>], vector<16xf32>,
      %swap3A_176 = arith.constant 10 : i32
      %swap3A_177 = arith.index_cast %swap3A_176 : i32 to index
      %swap3A_178 = arith.index_cast %mul3A_86 : i32 to index
      %swap3A_179 = tpu.vector_load %arg19[%swap3A_177, %swap3A_178] {strides = array<i32>} : memref<16x512xf32, #tpu.memory_space<vmem>>, vector<16xf32>,
      tpu.vector_store %arg19[%swap3A_177, %swap3A_178], %gather3A_175 {strides = array<i32>} : memref<16x512xf32, #tpu.memory_space<vmem>>, vector<16xf32>,
      %add3A_180 = arith.constant 11 : i32
      %add3A_181 = vector.broadcast %add3A_180 : i32 to vector<16xi32>
      %add3A_182 = arith.addi %shift_left3A_91, %add3A_181 : vector<16xi32>
      %gather3A_183 = tpu.vector_load_idx %arg18[%add3A_93, %add3A_182] : memref<512x128xf32, #tpu.memory_space<vmem>>[vector<16xi32>, vector<16xi32>], vector<16xf32>,
      %swap3A_184 = arith.constant 11 : i32
      %swap3A_185 = arith.index_cast %swap3A_184 : i32 to index
      %swap3A_186 = arith.index_cast %mul3A_86 : i32 to index
      %swap3A_187 = tpu.vector_load %arg19[%swap3A_185, %swap3A_186] {strides = array<i32>} : memref<16x512xf32, #tpu.memory_space<vmem>>, vector<16xf32>,
      tpu.vector_store %arg19[%swap3A_185, %swap3A_186], %gather3A_183 {strides = array<i32>} : memref<16x512xf32, #tpu.memory_space<vmem>>, vector<16xf32>,
      %add3A_188 = arith.constant 12 : i32
      %add3A_189 = vector.broadcast %add3A_188 : i32 to vector<16xi32>
      %add3A_190 = arith.addi %shift_left3A_91, %add3A_189 : vector<16xi32>
      %gather3A_191 = tpu.vector_load_idx %arg18[%add3A_93, %add3A_190] : memref<512x128xf32, #tpu.memory_space<vmem>>[vector<16xi32>, vector<16xi32>], vector<16xf32>,
      %swap3A_192 = arith.constant 12 : i32
      %swap3A_193 = arith.index_cast %swap3A_192 : i32 to index
      %swap3A_194 = arith.index_cast %mul3A_86 : i32 to index
      %swap3A_195 = tpu.vector_load %arg19[%swap3A_193, %swap3A_194] {strides = array<i32>} : memref<16x512xf32, #tpu.memory_space<vmem>>, vector<16xf32>,
      tpu.vector_store %arg19[%swap3A_193, %swap3A_194], %gather3A_191 {strides = array<i32>} : memref<16x512xf32, #tpu.memory_space<vmem>>, vector<16xf32>,
      %add3A_196 = arith.constant 13 : i32
      %add3A_197 = vector.broadcast %add3A_196 : i32 to vector<16xi32>
      %add3A_198 = arith.addi %shift_left3A_91, %add3A_197 : vector<16xi32>
      %gather3A_199 = tpu.vector_load_idx %arg18[%add3A_93, %add3A_198] : memref<512x128xf32, #tpu.memory_space<vmem>>[vector<16xi32>, vector<16xi32>], vector<16xf32>,
      %swap3A_200 = arith.constant 13 : i32
      %swap3A_201 = arith.index_cast %swap3A_200 : i32 to index
      %swap3A_202 = arith.index_cast %mul3A_86 : i32 to index
      %swap3A_203 = tpu.vector_load %arg19[%swap3A_201, %swap3A_202] {strides = array<i32>} : memref<16x512xf32, #tpu.memory_space<vmem>>, vector<16xf32>,
      tpu.vector_store %arg19[%swap3A_201, %swap3A_202], %gather3A_199 {strides = array<i32>} : memref<16x512xf32, #tpu.memory_space<vmem>>, vector<16xf32>,
      %add3A_204 = arith.constant 14 : i32
      %add3A_205 = vector.broadcast %add3A_204 : i32 to vector<16xi32>
      %add3A_206 = arith.addi %shift_left3A_91, %add3A_205 : vector<16xi32>
      %gather3A_207 = tpu.vector_load_idx %arg18[%add3A_93, %add3A_206] : memref<512x128xf32, #tpu.memory_space<vmem>>[vector<16xi32>, vector<16xi32>], vector<16xf32>,
      %swap3A_208 = arith.constant 14 : i32
      %swap3A_209 = arith.index_cast %swap3A_208 : i32 to index
      %swap3A_210 = arith.index_cast %mul3A_86 : i32 to index
      %swap3A_211 = tpu.vector_load %arg19[%swap3A_209, %swap3A_210] {strides = array<i32>} : memref<16x512xf32, #tpu.memory_space<vmem>>, vector<16xf32>,
      tpu.vector_store %arg19[%swap3A_209, %swap3A_210], %gather3A_207 {strides = array<i32>} : memref<16x512xf32, #tpu.memory_space<vmem>>, vector<16xf32>,
      %add3A_212 = arith.constant 15 : i32
      %add3A_213 = vector.broadcast %add3A_212 : i32 to vector<16xi32>
      %add3A_214 = arith.addi %shift_left3A_91, %add3A_213 : vector<16xi32>
      %gather3A_215 = tpu.vector_load_idx %arg18[%add3A_93, %add3A_214] : memref<512x128xf32, #tpu.memory_space<vmem>>[vector<16xi32>, vector<16xi32>], vector<16xf32>,
      %swap3A_216 = arith.constant 15 : i32
      %swap3A_217 = arith.index_cast %swap3A_216 : i32 to index
      %swap3A_218 = arith.index_cast %mul3A_86 : i32 to index
      %swap3A_219 = tpu.vector_load %arg19[%swap3A_217, %swap3A_218] {strides = array<i32>} : memref<16x512xf32, #tpu.memory_space<vmem>>, vector<16xf32>,
      tpu.vector_store %arg19[%swap3A_217, %swap3A_218], %gather3A_215 {strides = array<i32>} : memref<16x512xf32, #tpu.memory_space<vmem>>, vector<16xf32>,
      %scan3A_220 = arith.constant 0 : i32
      scf.yield %scan3A_220 : i32
    }
    %scan3A_19 = arith.constant 32 : i32
    "tpu.region"() ({
      %run_scoped3A = tpu.sem_alloc : memref<!tpu.dma_semaphore, #tpu.memory_space<semaphore_mem>>
      %dma_start3A_83 = tpu.memref_slice %arg3[%mul3A_2] : memref<16384xi32, #tpu.memory_space<hbm>> -> memref<512xi32, #tpu.memory_space<hbm>>
      %dma_start3A_84 = tpu.memref_slice %arg3[%mul3A_2] : memref<16384xi32, #tpu.memory_space<hbm>> -> memref<512xi32, #tpu.memory_space<hbm>>
      tpu.enqueue_dma source(%dma_start3A_84 : memref<512xi32, #tpu.memory_space<hbm>>) target(%arg14 : memref<512xi32, #tpu.memory_space<vmem>>) target_semaphore(%run_scoped3A : memref<!tpu.dma_semaphore, #tpu.memory_space<semaphore_mem>>)
      %dma_wait3A_85 = tpu.memref_slice %arg3[%mul3A_2] : memref<16384xi32, #tpu.memory_space<hbm>> -> memref<512xi32, #tpu.memory_space<hbm>>
      %dma_wait3A_86 = tpu.memref_slice %arg3[%mul3A_2] : memref<16384xi32, #tpu.memory_space<hbm>> -> memref<512xi32, #tpu.memory_space<hbm>>
      tpu.wait_dma2 semaphore(%run_scoped3A : memref<!tpu.dma_semaphore, #tpu.memory_space<semaphore_mem>>) src(%dma_wait3A_86 : memref<512xi32, #tpu.memory_space<hbm>>) dst(%arg14 : memref<512xi32, #tpu.memory_space<vmem>>)
      tpu.yield
    }) : () -> ()
    %scan3A_20 = arith.constant 0 : i32
    %scan3A_21 = arith.constant 0 : i32
    %scan3A_22 = arith.constant 32 : i32
    %scan3A_23 = arith.addi %scan3A_21, %scan3A_22 : i32
    %scan3A_24 = arith.constant 1 : i32
    %scan3A_25 = scf.for %scan3A_83 = %scan3A_21 to %scan3A_23 step %scan3A_24 iter_args(%scan3A_84 = %scan3A_20) -> (i32)  : i32 {
      %mul3A_85 = arith.constant 16 : i32
      %mul3A_86 = arith.muli %scan3A_83, %mul3A_85 : i32
      %get3A = arith.index_cast %mul3A_86 : i32 to index
      %get3A_87 = tpu.vector_load %arg14[%get3A] {strides = array<i32>} : memref<512xi32, #tpu.memory_space<vmem>>, vector<16xi32>,
      %shift_right_arithmetic3A = arith.constant 3 : i32
      %shift_right_arithmetic3A_88 = vector.broadcast %shift_right_arithmetic3A : i32 to vector<16xi32>
      %shift_right_arithmetic3A_89 = arith.shrsi %get3A_87, %shift_right_arithmetic3A_88 : vector<16xi32>
      %mul3A_90 = arith.constant 16 : i32
      %mul3A_91 = arith.muli %scan3A_83, %mul3A_90 : i32
      %swap3A = arith.index_cast %mul3A_91 : i32 to index
      %swap3A_92 = tpu.vector_load %arg17[%swap3A] {strides = array<i32>} : memref<512xi32, #tpu.memory_space<vmem>>, vector<16xi32>,
      tpu.vector_store %arg17[%swap3A], %shift_right_arithmetic3A_89 {strides = array<i32>} : memref<512xi32, #tpu.memory_space<vmem>>, vector<16xi32>,
      %scan3A_93 = arith.constant 0 : i32
      scf.yield %scan3A_93 : i32
    }
    %scan3A_26 = arith.constant 32 : i32
    %dma_start3A_27 = arith.constant 0 : i32
    %dma_start3A_28 = arith.constant 0 : i32
    %dma_start3A_29 = tpu.memref_slice %arg7[%dma_start3A_27, %dma_start3A_28] : memref<125000x128xf32, #tpu.memory_space<hbm>> -> memref<125000x128xf32, #tpu.memory_space<hbm>>
    tpu.enqueue_indirect_dma source(%dma_start3A_29 : memref<125000x128xf32, #tpu.memory_space<hbm>>) target(%arg18 : memref<512x128xf32, #tpu.memory_space<vmem>>) offsets(%arg17 : memref<512xi32, #tpu.memory_space<vmem>>) semaphore(%arg22 : memref<!tpu.dma_semaphore, #tpu.memory_space<semaphore_mem>>)
    %dma_wait3A_30 = arith.constant 0 : i32
    %dma_wait3A_31 = arith.constant 0 : i32
    %dma_wait3A_32 = tpu.memref_slice %arg7[%dma_wait3A_30, %dma_wait3A_31] : memref<125000x128xf32, #tpu.memory_space<hbm>> -> memref<125000x128xf32, #tpu.memory_space<hbm>>
    tpu.wait_indirect_dma semaphore(%arg22 : memref<!tpu.dma_semaphore, #tpu.memory_space<semaphore_mem>>) src(%dma_wait3A_32 : memref<125000x128xf32, #tpu.memory_space<hbm>>) dst(%arg18 : memref<512x128xf32, #tpu.memory_space<vmem>>)
    %iota3A_33 = tpu.iota {dimensions = array<i32: 0>} : vector<16xi32>
    %scan3A_34 = arith.constant 0 : i32
    %scan3A_35 = arith.constant 0 : i32
    %scan3A_36 = arith.constant 32 : i32
    %scan3A_37 = arith.addi %scan3A_35, %scan3A_36 : i32
    %scan3A_38 = arith.constant 1 : i32
    %scan3A_39 = scf.for %scan3A_83 = %scan3A_35 to %scan3A_37 step %scan3A_38 iter_args(%scan3A_84 = %scan3A_34) -> (i32)  : i32 {
      %mul3A_85 = arith.constant 16 : i32
      %mul3A_86 = arith.muli %scan3A_83, %mul3A_85 : i32
      %get3A = arith.index_cast %mul3A_86 : i32 to index
      %get3A_87 = tpu.vector_load %arg14[%get3A] {strides = array<i32>} : memref<512xi32, #tpu.memory_space<vmem>>, vector<16xi32>,
      %and3A = arith.constant 7 : i32
      %and3A_88 = vector.broadcast %and3A : i32 to vector<16xi32>
      %and3A_89 = arith.andi %get3A_87, %and3A_88 : vector<16xi32>
      %shift_left3A = arith.constant 4 : i32
      %shift_left3A_90 = vector.broadcast %shift_left3A : i32 to vector<16xi32>
      %shift_left3A_91 = arith.shli %and3A_89, %shift_left3A_90 : vector<16xi32>
      %add3A_92 = vector.broadcast %mul3A_86 : i32 to vector<16xi32>
      %add3A_93 = arith.addi %add3A_92, %iota3A_33 : vector<16xi32>
      %add3A_94 = arith.constant 0 : i32
      %add3A_95 = vector.broadcast %add3A_94 : i32 to vector<16xi32>
      %add3A_96 = arith.addi %shift_left3A_91, %add3A_95 : vector<16xi32>
      %gather3A = tpu.vector_load_idx %arg18[%add3A_93, %add3A_96] : memref<512x128xf32, #tpu.memory_space<vmem>>[vector<16xi32>, vector<16xi32>], vector<16xf32>,
      %swap3A = arith.constant 0 : i32
      %swap3A_97 = arith.index_cast %swap3A : i32 to index
      %swap3A_98 = arith.index_cast %mul3A_86 : i32 to index
      %swap3A_99 = tpu.vector_load %arg20[%swap3A_97, %swap3A_98] {strides = array<i32>} : memref<16x512xf32, #tpu.memory_space<vmem>>, vector<16xf32>,
      tpu.vector_store %arg20[%swap3A_97, %swap3A_98], %gather3A {strides = array<i32>} : memref<16x512xf32, #tpu.memory_space<vmem>>, vector<16xf32>,
      %add3A_100 = arith.constant 1 : i32
      %add3A_101 = vector.broadcast %add3A_100 : i32 to vector<16xi32>
      %add3A_102 = arith.addi %shift_left3A_91, %add3A_101 : vector<16xi32>
      %gather3A_103 = tpu.vector_load_idx %arg18[%add3A_93, %add3A_102] : memref<512x128xf32, #tpu.memory_space<vmem>>[vector<16xi32>, vector<16xi32>], vector<16xf32>,
      %swap3A_104 = arith.constant 1 : i32
      %swap3A_105 = arith.index_cast %swap3A_104 : i32 to index
      %swap3A_106 = arith.index_cast %mul3A_86 : i32 to index
      %swap3A_107 = tpu.vector_load %arg20[%swap3A_105, %swap3A_106] {strides = array<i32>} : memref<16x512xf32, #tpu.memory_space<vmem>>, vector<16xf32>,
      tpu.vector_store %arg20[%swap3A_105, %swap3A_106], %gather3A_103 {strides = array<i32>} : memref<16x512xf32, #tpu.memory_space<vmem>>, vector<16xf32>,
      %add3A_108 = arith.constant 2 : i32
      %add3A_109 = vector.broadcast %add3A_108 : i32 to vector<16xi32>
      %add3A_110 = arith.addi %shift_left3A_91, %add3A_109 : vector<16xi32>
      %gather3A_111 = tpu.vector_load_idx %arg18[%add3A_93, %add3A_110] : memref<512x128xf32, #tpu.memory_space<vmem>>[vector<16xi32>, vector<16xi32>], vector<16xf32>,
      %swap3A_112 = arith.constant 2 : i32
      %swap3A_113 = arith.index_cast %swap3A_112 : i32 to index
      %swap3A_114 = arith.index_cast %mul3A_86 : i32 to index
      %swap3A_115 = tpu.vector_load %arg20[%swap3A_113, %swap3A_114] {strides = array<i32>} : memref<16x512xf32, #tpu.memory_space<vmem>>, vector<16xf32>,
      tpu.vector_store %arg20[%swap3A_113, %swap3A_114], %gather3A_111 {strides = array<i32>} : memref<16x512xf32, #tpu.memory_space<vmem>>, vector<16xf32>,
      %add3A_116 = arith.constant 3 : i32
      %add3A_117 = vector.broadcast %add3A_116 : i32 to vector<16xi32>
      %add3A_118 = arith.addi %shift_left3A_91, %add3A_117 : vector<16xi32>
      %gather3A_119 = tpu.vector_load_idx %arg18[%add3A_93, %add3A_118] : memref<512x128xf32, #tpu.memory_space<vmem>>[vector<16xi32>, vector<16xi32>], vector<16xf32>,
      %swap3A_120 = arith.constant 3 : i32
      %swap3A_121 = arith.index_cast %swap3A_120 : i32 to index
      %swap3A_122 = arith.index_cast %mul3A_86 : i32 to index
      %swap3A_123 = tpu.vector_load %arg20[%swap3A_121, %swap3A_122] {strides = array<i32>} : memref<16x512xf32, #tpu.memory_space<vmem>>, vector<16xf32>,
      tpu.vector_store %arg20[%swap3A_121, %swap3A_122], %gather3A_119 {strides = array<i32>} : memref<16x512xf32, #tpu.memory_space<vmem>>, vector<16xf32>,
      %add3A_124 = arith.constant 4 : i32
      %add3A_125 = vector.broadcast %add3A_124 : i32 to vector<16xi32>
      %add3A_126 = arith.addi %shift_left3A_91, %add3A_125 : vector<16xi32>
      %gather3A_127 = tpu.vector_load_idx %arg18[%add3A_93, %add3A_126] : memref<512x128xf32, #tpu.memory_space<vmem>>[vector<16xi32>, vector<16xi32>], vector<16xf32>,
      %swap3A_128 = arith.constant 4 : i32
      %swap3A_129 = arith.index_cast %swap3A_128 : i32 to index
      %swap3A_130 = arith.index_cast %mul3A_86 : i32 to index
      %swap3A_131 = tpu.vector_load %arg20[%swap3A_129, %swap3A_130] {strides = array<i32>} : memref<16x512xf32, #tpu.memory_space<vmem>>, vector<16xf32>,
      tpu.vector_store %arg20[%swap3A_129, %swap3A_130], %gather3A_127 {strides = array<i32>} : memref<16x512xf32, #tpu.memory_space<vmem>>, vector<16xf32>,
      %add3A_132 = arith.constant 5 : i32
      %add3A_133 = vector.broadcast %add3A_132 : i32 to vector<16xi32>
      %add3A_134 = arith.addi %shift_left3A_91, %add3A_133 : vector<16xi32>
      %gather3A_135 = tpu.vector_load_idx %arg18[%add3A_93, %add3A_134] : memref<512x128xf32, #tpu.memory_space<vmem>>[vector<16xi32>, vector<16xi32>], vector<16xf32>,
      %swap3A_136 = arith.constant 5 : i32
      %swap3A_137 = arith.index_cast %swap3A_136 : i32 to index
      %swap3A_138 = arith.index_cast %mul3A_86 : i32 to index
      %swap3A_139 = tpu.vector_load %arg20[%swap3A_137, %swap3A_138] {strides = array<i32>} : memref<16x512xf32, #tpu.memory_space<vmem>>, vector<16xf32>,
      tpu.vector_store %arg20[%swap3A_137, %swap3A_138], %gather3A_135 {strides = array<i32>} : memref<16x512xf32, #tpu.memory_space<vmem>>, vector<16xf32>,
      %add3A_140 = arith.constant 6 : i32
      %add3A_141 = vector.broadcast %add3A_140 : i32 to vector<16xi32>
      %add3A_142 = arith.addi %shift_left3A_91, %add3A_141 : vector<16xi32>
      %gather3A_143 = tpu.vector_load_idx %arg18[%add3A_93, %add3A_142] : memref<512x128xf32, #tpu.memory_space<vmem>>[vector<16xi32>, vector<16xi32>], vector<16xf32>,
      %swap3A_144 = arith.constant 6 : i32
      %swap3A_145 = arith.index_cast %swap3A_144 : i32 to index
      %swap3A_146 = arith.index_cast %mul3A_86 : i32 to index
      %swap3A_147 = tpu.vector_load %arg20[%swap3A_145, %swap3A_146] {strides = array<i32>} : memref<16x512xf32, #tpu.memory_space<vmem>>, vector<16xf32>,
      tpu.vector_store %arg20[%swap3A_145, %swap3A_146], %gather3A_143 {strides = array<i32>} : memref<16x512xf32, #tpu.memory_space<vmem>>, vector<16xf32>,
      %add3A_148 = arith.constant 7 : i32
      %add3A_149 = vector.broadcast %add3A_148 : i32 to vector<16xi32>
      %add3A_150 = arith.addi %shift_left3A_91, %add3A_149 : vector<16xi32>
      %gather3A_151 = tpu.vector_load_idx %arg18[%add3A_93, %add3A_150] : memref<512x128xf32, #tpu.memory_space<vmem>>[vector<16xi32>, vector<16xi32>], vector<16xf32>,
      %swap3A_152 = arith.constant 7 : i32
      %swap3A_153 = arith.index_cast %swap3A_152 : i32 to index
      %swap3A_154 = arith.index_cast %mul3A_86 : i32 to index
      %swap3A_155 = tpu.vector_load %arg20[%swap3A_153, %swap3A_154] {strides = array<i32>} : memref<16x512xf32, #tpu.memory_space<vmem>>, vector<16xf32>,
      tpu.vector_store %arg20[%swap3A_153, %swap3A_154], %gather3A_151 {strides = array<i32>} : memref<16x512xf32, #tpu.memory_space<vmem>>, vector<16xf32>,
      %add3A_156 = arith.constant 8 : i32
      %add3A_157 = vector.broadcast %add3A_156 : i32 to vector<16xi32>
      %add3A_158 = arith.addi %shift_left3A_91, %add3A_157 : vector<16xi32>
      %gather3A_159 = tpu.vector_load_idx %arg18[%add3A_93, %add3A_158] : memref<512x128xf32, #tpu.memory_space<vmem>>[vector<16xi32>, vector<16xi32>], vector<16xf32>,
      %swap3A_160 = arith.constant 8 : i32
      %swap3A_161 = arith.index_cast %swap3A_160 : i32 to index
      %swap3A_162 = arith.index_cast %mul3A_86 : i32 to index
      %swap3A_163 = tpu.vector_load %arg20[%swap3A_161, %swap3A_162] {strides = array<i32>} : memref<16x512xf32, #tpu.memory_space<vmem>>, vector<16xf32>,
      tpu.vector_store %arg20[%swap3A_161, %swap3A_162], %gather3A_159 {strides = array<i32>} : memref<16x512xf32, #tpu.memory_space<vmem>>, vector<16xf32>,
      %add3A_164 = arith.constant 9 : i32
      %add3A_165 = vector.broadcast %add3A_164 : i32 to vector<16xi32>
      %add3A_166 = arith.addi %shift_left3A_91, %add3A_165 : vector<16xi32>
      %gather3A_167 = tpu.vector_load_idx %arg18[%add3A_93, %add3A_166] : memref<512x128xf32, #tpu.memory_space<vmem>>[vector<16xi32>, vector<16xi32>], vector<16xf32>,
      %swap3A_168 = arith.constant 9 : i32
      %swap3A_169 = arith.index_cast %swap3A_168 : i32 to index
      %swap3A_170 = arith.index_cast %mul3A_86 : i32 to index
      %swap3A_171 = tpu.vector_load %arg20[%swap3A_169, %swap3A_170] {strides = array<i32>} : memref<16x512xf32, #tpu.memory_space<vmem>>, vector<16xf32>,
      tpu.vector_store %arg20[%swap3A_169, %swap3A_170], %gather3A_167 {strides = array<i32>} : memref<16x512xf32, #tpu.memory_space<vmem>>, vector<16xf32>,
      %add3A_172 = arith.constant 10 : i32
      %add3A_173 = vector.broadcast %add3A_172 : i32 to vector<16xi32>
      %add3A_174 = arith.addi %shift_left3A_91, %add3A_173 : vector<16xi32>
      %gather3A_175 = tpu.vector_load_idx %arg18[%add3A_93, %add3A_174] : memref<512x128xf32, #tpu.memory_space<vmem>>[vector<16xi32>, vector<16xi32>], vector<16xf32>,
      %swap3A_176 = arith.constant 10 : i32
      %swap3A_177 = arith.index_cast %swap3A_176 : i32 to index
      %swap3A_178 = arith.index_cast %mul3A_86 : i32 to index
      %swap3A_179 = tpu.vector_load %arg20[%swap3A_177, %swap3A_178] {strides = array<i32>} : memref<16x512xf32, #tpu.memory_space<vmem>>, vector<16xf32>,
      tpu.vector_store %arg20[%swap3A_177, %swap3A_178], %gather3A_175 {strides = array<i32>} : memref<16x512xf32, #tpu.memory_space<vmem>>, vector<16xf32>,
      %add3A_180 = arith.constant 11 : i32
      %add3A_181 = vector.broadcast %add3A_180 : i32 to vector<16xi32>
      %add3A_182 = arith.addi %shift_left3A_91, %add3A_181 : vector<16xi32>
      %gather3A_183 = tpu.vector_load_idx %arg18[%add3A_93, %add3A_182] : memref<512x128xf32, #tpu.memory_space<vmem>>[vector<16xi32>, vector<16xi32>], vector<16xf32>,
      %swap3A_184 = arith.constant 11 : i32
      %swap3A_185 = arith.index_cast %swap3A_184 : i32 to index
      %swap3A_186 = arith.index_cast %mul3A_86 : i32 to index
      %swap3A_187 = tpu.vector_load %arg20[%swap3A_185, %swap3A_186] {strides = array<i32>} : memref<16x512xf32, #tpu.memory_space<vmem>>, vector<16xf32>,
      tpu.vector_store %arg20[%swap3A_185, %swap3A_186], %gather3A_183 {strides = array<i32>} : memref<16x512xf32, #tpu.memory_space<vmem>>, vector<16xf32>,
      %add3A_188 = arith.constant 12 : i32
      %add3A_189 = vector.broadcast %add3A_188 : i32 to vector<16xi32>
      %add3A_190 = arith.addi %shift_left3A_91, %add3A_189 : vector<16xi32>
      %gather3A_191 = tpu.vector_load_idx %arg18[%add3A_93, %add3A_190] : memref<512x128xf32, #tpu.memory_space<vmem>>[vector<16xi32>, vector<16xi32>], vector<16xf32>,
      %swap3A_192 = arith.constant 12 : i32
      %swap3A_193 = arith.index_cast %swap3A_192 : i32 to index
      %swap3A_194 = arith.index_cast %mul3A_86 : i32 to index
      %swap3A_195 = tpu.vector_load %arg20[%swap3A_193, %swap3A_194] {strides = array<i32>} : memref<16x512xf32, #tpu.memory_space<vmem>>, vector<16xf32>,
      tpu.vector_store %arg20[%swap3A_193, %swap3A_194], %gather3A_191 {strides = array<i32>} : memref<16x512xf32, #tpu.memory_space<vmem>>, vector<16xf32>,
      %add3A_196 = arith.constant 13 : i32
      %add3A_197 = vector.broadcast %add3A_196 : i32 to vector<16xi32>
      %add3A_198 = arith.addi %shift_left3A_91, %add3A_197 : vector<16xi32>
      %gather3A_199 = tpu.vector_load_idx %arg18[%add3A_93, %add3A_198] : memref<512x128xf32, #tpu.memory_space<vmem>>[vector<16xi32>, vector<16xi32>], vector<16xf32>,
      %swap3A_200 = arith.constant 13 : i32
      %swap3A_201 = arith.index_cast %swap3A_200 : i32 to index
      %swap3A_202 = arith.index_cast %mul3A_86 : i32 to index
      %swap3A_203 = tpu.vector_load %arg20[%swap3A_201, %swap3A_202] {strides = array<i32>} : memref<16x512xf32, #tpu.memory_space<vmem>>, vector<16xf32>,
      tpu.vector_store %arg20[%swap3A_201, %swap3A_202], %gather3A_199 {strides = array<i32>} : memref<16x512xf32, #tpu.memory_space<vmem>>, vector<16xf32>,
      %add3A_204 = arith.constant 14 : i32
      %add3A_205 = vector.broadcast %add3A_204 : i32 to vector<16xi32>
      %add3A_206 = arith.addi %shift_left3A_91, %add3A_205 : vector<16xi32>
      %gather3A_207 = tpu.vector_load_idx %arg18[%add3A_93, %add3A_206] : memref<512x128xf32, #tpu.memory_space<vmem>>[vector<16xi32>, vector<16xi32>], vector<16xf32>,
      %swap3A_208 = arith.constant 14 : i32
      %swap3A_209 = arith.index_cast %swap3A_208 : i32 to index
      %swap3A_210 = arith.index_cast %mul3A_86 : i32 to index
      %swap3A_211 = tpu.vector_load %arg20[%swap3A_209, %swap3A_210] {strides = array<i32>} : memref<16x512xf32, #tpu.memory_space<vmem>>, vector<16xf32>,
      tpu.vector_store %arg20[%swap3A_209, %swap3A_210], %gather3A_207 {strides = array<i32>} : memref<16x512xf32, #tpu.memory_space<vmem>>, vector<16xf32>,
      %add3A_212 = arith.constant 15 : i32
      %add3A_213 = vector.broadcast %add3A_212 : i32 to vector<16xi32>
      %add3A_214 = arith.addi %shift_left3A_91, %add3A_213 : vector<16xi32>
      %gather3A_215 = tpu.vector_load_idx %arg18[%add3A_93, %add3A_214] : memref<512x128xf32, #tpu.memory_space<vmem>>[vector<16xi32>, vector<16xi32>], vector<16xf32>,
      %swap3A_216 = arith.constant 15 : i32
      %swap3A_217 = arith.index_cast %swap3A_216 : i32 to index
      %swap3A_218 = arith.index_cast %mul3A_86 : i32 to index
      %swap3A_219 = tpu.vector_load %arg20[%swap3A_217, %swap3A_218] {strides = array<i32>} : memref<16x512xf32, #tpu.memory_space<vmem>>, vector<16xf32>,
      tpu.vector_store %arg20[%swap3A_217, %swap3A_218], %gather3A_215 {strides = array<i32>} : memref<16x512xf32, #tpu.memory_space<vmem>>, vector<16xf32>,
      %scan3A_220 = arith.constant 0 : i32
      scf.yield %scan3A_220 : i32
    }
    %scan3A_40 = arith.constant 32 : i32
    "tpu.region"() ({
      %run_scoped3A = tpu.sem_alloc : memref<!tpu.dma_semaphore, #tpu.memory_space<semaphore_mem>>
      %dma_start3A_83 = tpu.memref_slice %arg4[%mul3A_2] : memref<16384xi32, #tpu.memory_space<hbm>> -> memref<512xi32, #tpu.memory_space<hbm>>
      %dma_start3A_84 = tpu.memref_slice %arg4[%mul3A_2] : memref<16384xi32, #tpu.memory_space<hbm>> -> memref<512xi32, #tpu.memory_space<hbm>>
      tpu.enqueue_dma source(%dma_start3A_84 : memref<512xi32, #tpu.memory_space<hbm>>) target(%arg15 : memref<512xi32, #tpu.memory_space<vmem>>) target_semaphore(%run_scoped3A : memref<!tpu.dma_semaphore, #tpu.memory_space<semaphore_mem>>)
      %dma_wait3A_85 = tpu.memref_slice %arg4[%mul3A_2] : memref<16384xi32, #tpu.memory_space<hbm>> -> memref<512xi32, #tpu.memory_space<hbm>>
      %dma_wait3A_86 = tpu.memref_slice %arg4[%mul3A_2] : memref<16384xi32, #tpu.memory_space<hbm>> -> memref<512xi32, #tpu.memory_space<hbm>>
      tpu.wait_dma2 semaphore(%run_scoped3A : memref<!tpu.dma_semaphore, #tpu.memory_space<semaphore_mem>>) src(%dma_wait3A_86 : memref<512xi32, #tpu.memory_space<hbm>>) dst(%arg15 : memref<512xi32, #tpu.memory_space<vmem>>)
      tpu.yield
    }) : () -> ()
    %scan3A_41 = arith.constant 0 : i32
    %scan3A_42 = arith.constant 0 : i32
    %scan3A_43 = arith.constant 32 : i32
    %scan3A_44 = arith.addi %scan3A_42, %scan3A_43 : i32
    %scan3A_45 = arith.constant 1 : i32
    %scan3A_46 = scf.for %scan3A_83 = %scan3A_42 to %scan3A_44 step %scan3A_45 iter_args(%scan3A_84 = %scan3A_41) -> (i32)  : i32 {
      %mul3A_85 = arith.constant 16 : i32
      %mul3A_86 = arith.muli %scan3A_83, %mul3A_85 : i32
      %get3A = arith.index_cast %mul3A_86 : i32 to index
      %get3A_87 = tpu.vector_load %arg15[%get3A] {strides = array<i32>} : memref<512xi32, #tpu.memory_space<vmem>>, vector<16xi32>,
      %shift_right_arithmetic3A = arith.constant 3 : i32
      %shift_right_arithmetic3A_88 = vector.broadcast %shift_right_arithmetic3A : i32 to vector<16xi32>
      %shift_right_arithmetic3A_89 = arith.shrsi %get3A_87, %shift_right_arithmetic3A_88 : vector<16xi32>
      %mul3A_90 = arith.constant 16 : i32
      %mul3A_91 = arith.muli %scan3A_83, %mul3A_90 : i32
      %swap3A = arith.index_cast %mul3A_91 : i32 to index
      %swap3A_92 = tpu.vector_load %arg17[%swap3A] {strides = array<i32>} : memref<512xi32, #tpu.memory_space<vmem>>, vector<16xi32>,
      tpu.vector_store %arg17[%swap3A], %shift_right_arithmetic3A_89 {strides = array<i32>} : memref<512xi32, #tpu.memory_space<vmem>>, vector<16xi32>,
      %scan3A_93 = arith.constant 0 : i32
      scf.yield %scan3A_93 : i32
    }
    %scan3A_47 = arith.constant 32 : i32
    %dma_start3A_48 = arith.constant 0 : i32
    %dma_start3A_49 = arith.constant 0 : i32
    %dma_start3A_50 = tpu.memref_slice %arg8[%dma_start3A_48, %dma_start3A_49] : memref<125000x128xf32, #tpu.memory_space<hbm>> -> memref<125000x128xf32, #tpu.memory_space<hbm>>
    tpu.enqueue_indirect_dma source(%dma_start3A_50 : memref<125000x128xf32, #tpu.memory_space<hbm>>) target(%arg18 : memref<512x128xf32, #tpu.memory_space<vmem>>) offsets(%arg17 : memref<512xi32, #tpu.memory_space<vmem>>) semaphore(%arg22 : memref<!tpu.dma_semaphore, #tpu.memory_space<semaphore_mem>>)
    %dma_wait3A_51 = arith.constant 0 : i32
    %dma_wait3A_52 = arith.constant 0 : i32
    %dma_wait3A_53 = tpu.memref_slice %arg8[%dma_wait3A_51, %dma_wait3A_52] : memref<125000x128xf32, #tpu.memory_space<hbm>> -> memref<125000x128xf32, #tpu.memory_space<hbm>>
    tpu.wait_indirect_dma semaphore(%arg22 : memref<!tpu.dma_semaphore, #tpu.memory_space<semaphore_mem>>) src(%dma_wait3A_53 : memref<125000x128xf32, #tpu.memory_space<hbm>>) dst(%arg18 : memref<512x128xf32, #tpu.memory_space<vmem>>)
    %iota3A_54 = tpu.iota {dimensions = array<i32: 0>} : vector<16xi32>
    %scan3A_55 = arith.constant 0 : i32
    %scan3A_56 = arith.constant 0 : i32
    %scan3A_57 = arith.constant 32 : i32
    %scan3A_58 = arith.addi %scan3A_56, %scan3A_57 : i32
    %scan3A_59 = arith.constant 1 : i32
    %scan3A_60 = scf.for %scan3A_83 = %scan3A_56 to %scan3A_58 step %scan3A_59 iter_args(%scan3A_84 = %scan3A_55) -> (i32)  : i32 {
      %mul3A_85 = arith.constant 16 : i32
      %mul3A_86 = arith.muli %scan3A_83, %mul3A_85 : i32
      %get3A = arith.index_cast %mul3A_86 : i32 to index
      %get3A_87 = tpu.vector_load %arg15[%get3A] {strides = array<i32>} : memref<512xi32, #tpu.memory_space<vmem>>, vector<16xi32>,
      %and3A = arith.constant 7 : i32
      %and3A_88 = vector.broadcast %and3A : i32 to vector<16xi32>
      %and3A_89 = arith.andi %get3A_87, %and3A_88 : vector<16xi32>
      %shift_left3A = arith.constant 4 : i32
      %shift_left3A_90 = vector.broadcast %shift_left3A : i32 to vector<16xi32>
      %shift_left3A_91 = arith.shli %and3A_89, %shift_left3A_90 : vector<16xi32>
      %add3A_92 = vector.broadcast %mul3A_86 : i32 to vector<16xi32>
      %add3A_93 = arith.addi %add3A_92, %iota3A_54 : vector<16xi32>
      %add3A_94 = arith.constant 0 : i32
      %add3A_95 = vector.broadcast %add3A_94 : i32 to vector<16xi32>
      %add3A_96 = arith.addi %shift_left3A_91, %add3A_95 : vector<16xi32>
      %gather3A = tpu.vector_load_idx %arg18[%add3A_93, %add3A_96] : memref<512x128xf32, #tpu.memory_space<vmem>>[vector<16xi32>, vector<16xi32>], vector<16xf32>,
      %swap3A = arith.constant 0 : i32
      %swap3A_97 = arith.index_cast %swap3A : i32 to index
      %swap3A_98 = arith.index_cast %mul3A_86 : i32 to index
      %swap3A_99 = tpu.vector_load %arg21[%swap3A_97, %swap3A_98] {strides = array<i32>} : memref<32x512xf32, #tpu.memory_space<vmem>>, vector<16xf32>,
      tpu.vector_store %arg21[%swap3A_97, %swap3A_98], %gather3A {strides = array<i32>} : memref<32x512xf32, #tpu.memory_space<vmem>>, vector<16xf32>,
      %add3A_100 = arith.constant 1 : i32
      %add3A_101 = vector.broadcast %add3A_100 : i32 to vector<16xi32>
      %add3A_102 = arith.addi %shift_left3A_91, %add3A_101 : vector<16xi32>
      %gather3A_103 = tpu.vector_load_idx %arg18[%add3A_93, %add3A_102] : memref<512x128xf32, #tpu.memory_space<vmem>>[vector<16xi32>, vector<16xi32>], vector<16xf32>,
      %swap3A_104 = arith.constant 1 : i32
      %swap3A_105 = arith.index_cast %swap3A_104 : i32 to index
      %swap3A_106 = arith.index_cast %mul3A_86 : i32 to index
      %swap3A_107 = tpu.vector_load %arg21[%swap3A_105, %swap3A_106] {strides = array<i32>} : memref<32x512xf32, #tpu.memory_space<vmem>>, vector<16xf32>,
      tpu.vector_store %arg21[%swap3A_105, %swap3A_106], %gather3A_103 {strides = array<i32>} : memref<32x512xf32, #tpu.memory_space<vmem>>, vector<16xf32>,
      %add3A_108 = arith.constant 2 : i32
      %add3A_109 = vector.broadcast %add3A_108 : i32 to vector<16xi32>
      %add3A_110 = arith.addi %shift_left3A_91, %add3A_109 : vector<16xi32>
      %gather3A_111 = tpu.vector_load_idx %arg18[%add3A_93, %add3A_110] : memref<512x128xf32, #tpu.memory_space<vmem>>[vector<16xi32>, vector<16xi32>], vector<16xf32>,
      %swap3A_112 = arith.constant 2 : i32
      %swap3A_113 = arith.index_cast %swap3A_112 : i32 to index
      %swap3A_114 = arith.index_cast %mul3A_86 : i32 to index
      %swap3A_115 = tpu.vector_load %arg21[%swap3A_113, %swap3A_114] {strides = array<i32>} : memref<32x512xf32, #tpu.memory_space<vmem>>, vector<16xf32>,
      tpu.vector_store %arg21[%swap3A_113, %swap3A_114], %gather3A_111 {strides = array<i32>} : memref<32x512xf32, #tpu.memory_space<vmem>>, vector<16xf32>,
      %add3A_116 = arith.constant 3 : i32
      %add3A_117 = vector.broadcast %add3A_116 : i32 to vector<16xi32>
      %add3A_118 = arith.addi %shift_left3A_91, %add3A_117 : vector<16xi32>
      %gather3A_119 = tpu.vector_load_idx %arg18[%add3A_93, %add3A_118] : memref<512x128xf32, #tpu.memory_space<vmem>>[vector<16xi32>, vector<16xi32>], vector<16xf32>,
      %swap3A_120 = arith.constant 3 : i32
      %swap3A_121 = arith.index_cast %swap3A_120 : i32 to index
      %swap3A_122 = arith.index_cast %mul3A_86 : i32 to index
      %swap3A_123 = tpu.vector_load %arg21[%swap3A_121, %swap3A_122] {strides = array<i32>} : memref<32x512xf32, #tpu.memory_space<vmem>>, vector<16xf32>,
      tpu.vector_store %arg21[%swap3A_121, %swap3A_122], %gather3A_119 {strides = array<i32>} : memref<32x512xf32, #tpu.memory_space<vmem>>, vector<16xf32>,
      %add3A_124 = arith.constant 4 : i32
      %add3A_125 = vector.broadcast %add3A_124 : i32 to vector<16xi32>
      %add3A_126 = arith.addi %shift_left3A_91, %add3A_125 : vector<16xi32>
      %gather3A_127 = tpu.vector_load_idx %arg18[%add3A_93, %add3A_126] : memref<512x128xf32, #tpu.memory_space<vmem>>[vector<16xi32>, vector<16xi32>], vector<16xf32>,
      %swap3A_128 = arith.constant 4 : i32
      %swap3A_129 = arith.index_cast %swap3A_128 : i32 to index
      %swap3A_130 = arith.index_cast %mul3A_86 : i32 to index
      %swap3A_131 = tpu.vector_load %arg21[%swap3A_129, %swap3A_130] {strides = array<i32>} : memref<32x512xf32, #tpu.memory_space<vmem>>, vector<16xf32>,
      tpu.vector_store %arg21[%swap3A_129, %swap3A_130], %gather3A_127 {strides = array<i32>} : memref<32x512xf32, #tpu.memory_space<vmem>>, vector<16xf32>,
      %add3A_132 = arith.constant 5 : i32
      %add3A_133 = vector.broadcast %add3A_132 : i32 to vector<16xi32>
      %add3A_134 = arith.addi %shift_left3A_91, %add3A_133 : vector<16xi32>
      %gather3A_135 = tpu.vector_load_idx %arg18[%add3A_93, %add3A_134] : memref<512x128xf32, #tpu.memory_space<vmem>>[vector<16xi32>, vector<16xi32>], vector<16xf32>,
      %swap3A_136 = arith.constant 5 : i32
      %swap3A_137 = arith.index_cast %swap3A_136 : i32 to index
      %swap3A_138 = arith.index_cast %mul3A_86 : i32 to index
      %swap3A_139 = tpu.vector_load %arg21[%swap3A_137, %swap3A_138] {strides = array<i32>} : memref<32x512xf32, #tpu.memory_space<vmem>>, vector<16xf32>,
      tpu.vector_store %arg21[%swap3A_137, %swap3A_138], %gather3A_135 {strides = array<i32>} : memref<32x512xf32, #tpu.memory_space<vmem>>, vector<16xf32>,
      %add3A_140 = arith.constant 6 : i32
      %add3A_141 = vector.broadcast %add3A_140 : i32 to vector<16xi32>
      %add3A_142 = arith.addi %shift_left3A_91, %add3A_141 : vector<16xi32>
      %gather3A_143 = tpu.vector_load_idx %arg18[%add3A_93, %add3A_142] : memref<512x128xf32, #tpu.memory_space<vmem>>[vector<16xi32>, vector<16xi32>], vector<16xf32>,
      %swap3A_144 = arith.constant 6 : i32
      %swap3A_145 = arith.index_cast %swap3A_144 : i32 to index
      %swap3A_146 = arith.index_cast %mul3A_86 : i32 to index
      %swap3A_147 = tpu.vector_load %arg21[%swap3A_145, %swap3A_146] {strides = array<i32>} : memref<32x512xf32, #tpu.memory_space<vmem>>, vector<16xf32>,
      tpu.vector_store %arg21[%swap3A_145, %swap3A_146], %gather3A_143 {strides = array<i32>} : memref<32x512xf32, #tpu.memory_space<vmem>>, vector<16xf32>,
      %add3A_148 = arith.constant 7 : i32
      %add3A_149 = vector.broadcast %add3A_148 : i32 to vector<16xi32>
      %add3A_150 = arith.addi %shift_left3A_91, %add3A_149 : vector<16xi32>
      %gather3A_151 = tpu.vector_load_idx %arg18[%add3A_93, %add3A_150] : memref<512x128xf32, #tpu.memory_space<vmem>>[vector<16xi32>, vector<16xi32>], vector<16xf32>,
      %swap3A_152 = arith.constant 7 : i32
      %swap3A_153 = arith.index_cast %swap3A_152 : i32 to index
      %swap3A_154 = arith.index_cast %mul3A_86 : i32 to index
      %swap3A_155 = tpu.vector_load %arg21[%swap3A_153, %swap3A_154] {strides = array<i32>} : memref<32x512xf32, #tpu.memory_space<vmem>>, vector<16xf32>,
      tpu.vector_store %arg21[%swap3A_153, %swap3A_154], %gather3A_151 {strides = array<i32>} : memref<32x512xf32, #tpu.memory_space<vmem>>, vector<16xf32>,
      %add3A_156 = arith.constant 8 : i32
      %add3A_157 = vector.broadcast %add3A_156 : i32 to vector<16xi32>
      %add3A_158 = arith.addi %shift_left3A_91, %add3A_157 : vector<16xi32>
      %gather3A_159 = tpu.vector_load_idx %arg18[%add3A_93, %add3A_158] : memref<512x128xf32, #tpu.memory_space<vmem>>[vector<16xi32>, vector<16xi32>], vector<16xf32>,
      %swap3A_160 = arith.constant 8 : i32
      %swap3A_161 = arith.index_cast %swap3A_160 : i32 to index
      %swap3A_162 = arith.index_cast %mul3A_86 : i32 to index
      %swap3A_163 = tpu.vector_load %arg21[%swap3A_161, %swap3A_162] {strides = array<i32>} : memref<32x512xf32, #tpu.memory_space<vmem>>, vector<16xf32>,
      tpu.vector_store %arg21[%swap3A_161, %swap3A_162], %gather3A_159 {strides = array<i32>} : memref<32x512xf32, #tpu.memory_space<vmem>>, vector<16xf32>,
      %add3A_164 = arith.constant 9 : i32
      %add3A_165 = vector.broadcast %add3A_164 : i32 to vector<16xi32>
      %add3A_166 = arith.addi %shift_left3A_91, %add3A_165 : vector<16xi32>
      %gather3A_167 = tpu.vector_load_idx %arg18[%add3A_93, %add3A_166] : memref<512x128xf32, #tpu.memory_space<vmem>>[vector<16xi32>, vector<16xi32>], vector<16xf32>,
      %swap3A_168 = arith.constant 9 : i32
      %swap3A_169 = arith.index_cast %swap3A_168 : i32 to index
      %swap3A_170 = arith.index_cast %mul3A_86 : i32 to index
      %swap3A_171 = tpu.vector_load %arg21[%swap3A_169, %swap3A_170] {strides = array<i32>} : memref<32x512xf32, #tpu.memory_space<vmem>>, vector<16xf32>,
      tpu.vector_store %arg21[%swap3A_169, %swap3A_170], %gather3A_167 {strides = array<i32>} : memref<32x512xf32, #tpu.memory_space<vmem>>, vector<16xf32>,
      %add3A_172 = arith.constant 10 : i32
      %add3A_173 = vector.broadcast %add3A_172 : i32 to vector<16xi32>
      %add3A_174 = arith.addi %shift_left3A_91, %add3A_173 : vector<16xi32>
      %gather3A_175 = tpu.vector_load_idx %arg18[%add3A_93, %add3A_174] : memref<512x128xf32, #tpu.memory_space<vmem>>[vector<16xi32>, vector<16xi32>], vector<16xf32>,
      %swap3A_176 = arith.constant 10 : i32
      %swap3A_177 = arith.index_cast %swap3A_176 : i32 to index
      %swap3A_178 = arith.index_cast %mul3A_86 : i32 to index
      %swap3A_179 = tpu.vector_load %arg21[%swap3A_177, %swap3A_178] {strides = array<i32>} : memref<32x512xf32, #tpu.memory_space<vmem>>, vector<16xf32>,
      tpu.vector_store %arg21[%swap3A_177, %swap3A_178], %gather3A_175 {strides = array<i32>} : memref<32x512xf32, #tpu.memory_space<vmem>>, vector<16xf32>,
      %add3A_180 = arith.constant 11 : i32
      %add3A_181 = vector.broadcast %add3A_180 : i32 to vector<16xi32>
      %add3A_182 = arith.addi %shift_left3A_91, %add3A_181 : vector<16xi32>
      %gather3A_183 = tpu.vector_load_idx %arg18[%add3A_93, %add3A_182] : memref<512x128xf32, #tpu.memory_space<vmem>>[vector<16xi32>, vector<16xi32>], vector<16xf32>,
      %swap3A_184 = arith.constant 11 : i32
      %swap3A_185 = arith.index_cast %swap3A_184 : i32 to index
      %swap3A_186 = arith.index_cast %mul3A_86 : i32 to index
      %swap3A_187 = tpu.vector_load %arg21[%swap3A_185, %swap3A_186] {strides = array<i32>} : memref<32x512xf32, #tpu.memory_space<vmem>>, vector<16xf32>,
      tpu.vector_store %arg21[%swap3A_185, %swap3A_186], %gather3A_183 {strides = array<i32>} : memref<32x512xf32, #tpu.memory_space<vmem>>, vector<16xf32>,
      %add3A_188 = arith.constant 12 : i32
      %add3A_189 = vector.broadcast %add3A_188 : i32 to vector<16xi32>
      %add3A_190 = arith.addi %shift_left3A_91, %add3A_189 : vector<16xi32>
      %gather3A_191 = tpu.vector_load_idx %arg18[%add3A_93, %add3A_190] : memref<512x128xf32, #tpu.memory_space<vmem>>[vector<16xi32>, vector<16xi32>], vector<16xf32>,
      %swap3A_192 = arith.constant 12 : i32
      %swap3A_193 = arith.index_cast %swap3A_192 : i32 to index
      %swap3A_194 = arith.index_cast %mul3A_86 : i32 to index
      %swap3A_195 = tpu.vector_load %arg21[%swap3A_193, %swap3A_194] {strides = array<i32>} : memref<32x512xf32, #tpu.memory_space<vmem>>, vector<16xf32>,
      tpu.vector_store %arg21[%swap3A_193, %swap3A_194], %gather3A_191 {strides = array<i32>} : memref<32x512xf32, #tpu.memory_space<vmem>>, vector<16xf32>,
      %add3A_196 = arith.constant 13 : i32
      %add3A_197 = vector.broadcast %add3A_196 : i32 to vector<16xi32>
      %add3A_198 = arith.addi %shift_left3A_91, %add3A_197 : vector<16xi32>
      %gather3A_199 = tpu.vector_load_idx %arg18[%add3A_93, %add3A_198] : memref<512x128xf32, #tpu.memory_space<vmem>>[vector<16xi32>, vector<16xi32>], vector<16xf32>,
      %swap3A_200 = arith.constant 13 : i32
      %swap3A_201 = arith.index_cast %swap3A_200 : i32 to index
      %swap3A_202 = arith.index_cast %mul3A_86 : i32 to index
      %swap3A_203 = tpu.vector_load %arg21[%swap3A_201, %swap3A_202] {strides = array<i32>} : memref<32x512xf32, #tpu.memory_space<vmem>>, vector<16xf32>,
      tpu.vector_store %arg21[%swap3A_201, %swap3A_202], %gather3A_199 {strides = array<i32>} : memref<32x512xf32, #tpu.memory_space<vmem>>, vector<16xf32>,
      %add3A_204 = arith.constant 14 : i32
      %add3A_205 = vector.broadcast %add3A_204 : i32 to vector<16xi32>
      %add3A_206 = arith.addi %shift_left3A_91, %add3A_205 : vector<16xi32>
      %gather3A_207 = tpu.vector_load_idx %arg18[%add3A_93, %add3A_206] : memref<512x128xf32, #tpu.memory_space<vmem>>[vector<16xi32>, vector<16xi32>], vector<16xf32>,
      %swap3A_208 = arith.constant 14 : i32
      %swap3A_209 = arith.index_cast %swap3A_208 : i32 to index
      %swap3A_210 = arith.index_cast %mul3A_86 : i32 to index
      %swap3A_211 = tpu.vector_load %arg21[%swap3A_209, %swap3A_210] {strides = array<i32>} : memref<32x512xf32, #tpu.memory_space<vmem>>, vector<16xf32>,
      tpu.vector_store %arg21[%swap3A_209, %swap3A_210], %gather3A_207 {strides = array<i32>} : memref<32x512xf32, #tpu.memory_space<vmem>>, vector<16xf32>,
      %add3A_212 = arith.constant 15 : i32
      %add3A_213 = vector.broadcast %add3A_212 : i32 to vector<16xi32>
      %add3A_214 = arith.addi %shift_left3A_91, %add3A_213 : vector<16xi32>
      %gather3A_215 = tpu.vector_load_idx %arg18[%add3A_93, %add3A_214] : memref<512x128xf32, #tpu.memory_space<vmem>>[vector<16xi32>, vector<16xi32>], vector<16xf32>,
      %swap3A_216 = arith.constant 15 : i32
      %swap3A_217 = arith.index_cast %swap3A_216 : i32 to index
      %swap3A_218 = arith.index_cast %mul3A_86 : i32 to index
      %swap3A_219 = tpu.vector_load %arg21[%swap3A_217, %swap3A_218] {strides = array<i32>} : memref<32x512xf32, #tpu.memory_space<vmem>>, vector<16xf32>,
      tpu.vector_store %arg21[%swap3A_217, %swap3A_218], %gather3A_215 {strides = array<i32>} : memref<32x512xf32, #tpu.memory_space<vmem>>, vector<16xf32>,
      %scan3A_220 = arith.constant 0 : i32
      scf.yield %scan3A_220 : i32
    }
    %scan3A_61 = arith.constant 32 : i32
    "tpu.region"() ({
      %run_scoped3A = tpu.sem_alloc : memref<!tpu.dma_semaphore, #tpu.memory_space<semaphore_mem>>
      %dma_start3A_83 = tpu.memref_slice %arg5[%mul3A_2] : memref<16384xi32, #tpu.memory_space<hbm>> -> memref<512xi32, #tpu.memory_space<hbm>>
      %dma_start3A_84 = tpu.memref_slice %arg5[%mul3A_2] : memref<16384xi32, #tpu.memory_space<hbm>> -> memref<512xi32, #tpu.memory_space<hbm>>
      tpu.enqueue_dma source(%dma_start3A_84 : memref<512xi32, #tpu.memory_space<hbm>>) target(%arg16 : memref<512xi32, #tpu.memory_space<vmem>>) target_semaphore(%run_scoped3A : memref<!tpu.dma_semaphore, #tpu.memory_space<semaphore_mem>>)
      %dma_wait3A_85 = tpu.memref_slice %arg5[%mul3A_2] : memref<16384xi32, #tpu.memory_space<hbm>> -> memref<512xi32, #tpu.memory_space<hbm>>
      %dma_wait3A_86 = tpu.memref_slice %arg5[%mul3A_2] : memref<16384xi32, #tpu.memory_space<hbm>> -> memref<512xi32, #tpu.memory_space<hbm>>
      tpu.wait_dma2 semaphore(%run_scoped3A : memref<!tpu.dma_semaphore, #tpu.memory_space<semaphore_mem>>) src(%dma_wait3A_86 : memref<512xi32, #tpu.memory_space<hbm>>) dst(%arg16 : memref<512xi32, #tpu.memory_space<vmem>>)
      tpu.yield
    }) : () -> ()
    %scan3A_62 = arith.constant 0 : i32
    %scan3A_63 = arith.constant 0 : i32
    %scan3A_64 = arith.constant 32 : i32
    %scan3A_65 = arith.addi %scan3A_63, %scan3A_64 : i32
    %scan3A_66 = arith.constant 1 : i32
    %scan3A_67 = scf.for %scan3A_83 = %scan3A_63 to %scan3A_65 step %scan3A_66 iter_args(%scan3A_84 = %scan3A_62) -> (i32)  : i32 {
      %mul3A_85 = arith.constant 16 : i32
      %mul3A_86 = arith.muli %scan3A_83, %mul3A_85 : i32
      %get3A = arith.index_cast %mul3A_86 : i32 to index
      %get3A_87 = tpu.vector_load %arg16[%get3A] {strides = array<i32>} : memref<512xi32, #tpu.memory_space<vmem>>, vector<16xi32>,
      %shift_right_arithmetic3A = arith.constant 3 : i32
      %shift_right_arithmetic3A_88 = vector.broadcast %shift_right_arithmetic3A : i32 to vector<16xi32>
      %shift_right_arithmetic3A_89 = arith.shrsi %get3A_87, %shift_right_arithmetic3A_88 : vector<16xi32>
      %mul3A_90 = arith.constant 16 : i32
      %mul3A_91 = arith.muli %scan3A_83, %mul3A_90 : i32
      %swap3A = arith.index_cast %mul3A_91 : i32 to index
      %swap3A_92 = tpu.vector_load %arg17[%swap3A] {strides = array<i32>} : memref<512xi32, #tpu.memory_space<vmem>>, vector<16xi32>,
      tpu.vector_store %arg17[%swap3A], %shift_right_arithmetic3A_89 {strides = array<i32>} : memref<512xi32, #tpu.memory_space<vmem>>, vector<16xi32>,
      %scan3A_93 = arith.constant 0 : i32
      scf.yield %scan3A_93 : i32
    }
    %scan3A_68 = arith.constant 32 : i32
    %dma_start3A_69 = arith.constant 0 : i32
    %dma_start3A_70 = arith.constant 0 : i32
    %dma_start3A_71 = tpu.memref_slice %arg9[%dma_start3A_69, %dma_start3A_70] : memref<125000x128xf32, #tpu.memory_space<hbm>> -> memref<125000x128xf32, #tpu.memory_space<hbm>>
    tpu.enqueue_indirect_dma source(%dma_start3A_71 : memref<125000x128xf32, #tpu.memory_space<hbm>>) target(%arg18 : memref<512x128xf32, #tpu.memory_space<vmem>>) offsets(%arg17 : memref<512xi32, #tpu.memory_space<vmem>>) semaphore(%arg22 : memref<!tpu.dma_semaphore, #tpu.memory_space<semaphore_mem>>)
    %dma_wait3A_72 = arith.constant 0 : i32
    %dma_wait3A_73 = arith.constant 0 : i32
    %dma_wait3A_74 = tpu.memref_slice %arg9[%dma_wait3A_72, %dma_wait3A_73] : memref<125000x128xf32, #tpu.memory_space<hbm>> -> memref<125000x128xf32, #tpu.memory_space<hbm>>
    tpu.wait_indirect_dma semaphore(%arg22 : memref<!tpu.dma_semaphore, #tpu.memory_space<semaphore_mem>>) src(%dma_wait3A_74 : memref<125000x128xf32, #tpu.memory_space<hbm>>) dst(%arg18 : memref<512x128xf32, #tpu.memory_space<vmem>>)
    %iota3A_75 = tpu.iota {dimensions = array<i32: 0>} : vector<16xi32>
    %scan3A_76 = arith.constant 0 : i32
    %scan3A_77 = arith.constant 0 : i32
    %scan3A_78 = arith.constant 32 : i32
    %scan3A_79 = arith.addi %scan3A_77, %scan3A_78 : i32
    %scan3A_80 = arith.constant 1 : i32
    %scan3A_81 = scf.for %scan3A_83 = %scan3A_77 to %scan3A_79 step %scan3A_80 iter_args(%scan3A_84 = %scan3A_76) -> (i32)  : i32 {
      %mul3A_85 = arith.constant 16 : i32
      %mul3A_86 = arith.muli %scan3A_83, %mul3A_85 : i32
      %get3A = arith.index_cast %mul3A_86 : i32 to index
      %get3A_87 = tpu.vector_load %arg16[%get3A] {strides = array<i32>} : memref<512xi32, #tpu.memory_space<vmem>>, vector<16xi32>,
      %and3A = arith.constant 7 : i32
      %and3A_88 = vector.broadcast %and3A : i32 to vector<16xi32>
      %and3A_89 = arith.andi %get3A_87, %and3A_88 : vector<16xi32>
      %shift_left3A = arith.constant 4 : i32
      %shift_left3A_90 = vector.broadcast %shift_left3A : i32 to vector<16xi32>
      %shift_left3A_91 = arith.shli %and3A_89, %shift_left3A_90 : vector<16xi32>
      %add3A_92 = vector.broadcast %mul3A_86 : i32 to vector<16xi32>
      %add3A_93 = arith.addi %add3A_92, %iota3A_75 : vector<16xi32>
      %add3A_94 = arith.constant 0 : i32
      %add3A_95 = vector.broadcast %add3A_94 : i32 to vector<16xi32>
      %add3A_96 = arith.addi %shift_left3A_91, %add3A_95 : vector<16xi32>
      %gather3A = tpu.vector_load_idx %arg18[%add3A_93, %add3A_96] : memref<512x128xf32, #tpu.memory_space<vmem>>[vector<16xi32>, vector<16xi32>], vector<16xf32>,
      %swap3A = arith.constant 16 : i32
      %swap3A_97 = arith.index_cast %swap3A : i32 to index
      %swap3A_98 = arith.index_cast %mul3A_86 : i32 to index
      %swap3A_99 = tpu.vector_load %arg21[%swap3A_97, %swap3A_98] {strides = array<i32>} : memref<32x512xf32, #tpu.memory_space<vmem>>, vector<16xf32>,
      tpu.vector_store %arg21[%swap3A_97, %swap3A_98], %gather3A {strides = array<i32>} : memref<32x512xf32, #tpu.memory_space<vmem>>, vector<16xf32>,
      %add3A_100 = arith.constant 1 : i32
      %add3A_101 = vector.broadcast %add3A_100 : i32 to vector<16xi32>
      %add3A_102 = arith.addi %shift_left3A_91, %add3A_101 : vector<16xi32>
      %gather3A_103 = tpu.vector_load_idx %arg18[%add3A_93, %add3A_102] : memref<512x128xf32, #tpu.memory_space<vmem>>[vector<16xi32>, vector<16xi32>], vector<16xf32>,
      %swap3A_104 = arith.constant 17 : i32
      %swap3A_105 = arith.index_cast %swap3A_104 : i32 to index
      %swap3A_106 = arith.index_cast %mul3A_86 : i32 to index
      %swap3A_107 = tpu.vector_load %arg21[%swap3A_105, %swap3A_106] {strides = array<i32>} : memref<32x512xf32, #tpu.memory_space<vmem>>, vector<16xf32>,
      tpu.vector_store %arg21[%swap3A_105, %swap3A_106], %gather3A_103 {strides = array<i32>} : memref<32x512xf32, #tpu.memory_space<vmem>>, vector<16xf32>,
      %add3A_108 = arith.constant 2 : i32
      %add3A_109 = vector.broadcast %add3A_108 : i32 to vector<16xi32>
      %add3A_110 = arith.addi %shift_left3A_91, %add3A_109 : vector<16xi32>
      %gather3A_111 = tpu.vector_load_idx %arg18[%add3A_93, %add3A_110] : memref<512x128xf32, #tpu.memory_space<vmem>>[vector<16xi32>, vector<16xi32>], vector<16xf32>,
      %swap3A_112 = arith.constant 18 : i32
      %swap3A_113 = arith.index_cast %swap3A_112 : i32 to index
      %swap3A_114 = arith.index_cast %mul3A_86 : i32 to index
      %swap3A_115 = tpu.vector_load %arg21[%swap3A_113, %swap3A_114] {strides = array<i32>} : memref<32x512xf32, #tpu.memory_space<vmem>>, vector<16xf32>,
      tpu.vector_store %arg21[%swap3A_113, %swap3A_114], %gather3A_111 {strides = array<i32>} : memref<32x512xf32, #tpu.memory_space<vmem>>, vector<16xf32>,
      %add3A_116 = arith.constant 3 : i32
      %add3A_117 = vector.broadcast %add3A_116 : i32 to vector<16xi32>
      %add3A_118 = arith.addi %shift_left3A_91, %add3A_117 : vector<16xi32>
      %gather3A_119 = tpu.vector_load_idx %arg18[%add3A_93, %add3A_118] : memref<512x128xf32, #tpu.memory_space<vmem>>[vector<16xi32>, vector<16xi32>], vector<16xf32>,
      %swap3A_120 = arith.constant 19 : i32
      %swap3A_121 = arith.index_cast %swap3A_120 : i32 to index
      %swap3A_122 = arith.index_cast %mul3A_86 : i32 to index
      %swap3A_123 = tpu.vector_load %arg21[%swap3A_121, %swap3A_122] {strides = array<i32>} : memref<32x512xf32, #tpu.memory_space<vmem>>, vector<16xf32>,
      tpu.vector_store %arg21[%swap3A_121, %swap3A_122], %gather3A_119 {strides = array<i32>} : memref<32x512xf32, #tpu.memory_space<vmem>>, vector<16xf32>,
      %add3A_124 = arith.constant 4 : i32
      %add3A_125 = vector.broadcast %add3A_124 : i32 to vector<16xi32>
      %add3A_126 = arith.addi %shift_left3A_91, %add3A_125 : vector<16xi32>
      %gather3A_127 = tpu.vector_load_idx %arg18[%add3A_93, %add3A_126] : memref<512x128xf32, #tpu.memory_space<vmem>>[vector<16xi32>, vector<16xi32>], vector<16xf32>,
      %swap3A_128 = arith.constant 20 : i32
      %swap3A_129 = arith.index_cast %swap3A_128 : i32 to index
      %swap3A_130 = arith.index_cast %mul3A_86 : i32 to index
      %swap3A_131 = tpu.vector_load %arg21[%swap3A_129, %swap3A_130] {strides = array<i32>} : memref<32x512xf32, #tpu.memory_space<vmem>>, vector<16xf32>,
      tpu.vector_store %arg21[%swap3A_129, %swap3A_130], %gather3A_127 {strides = array<i32>} : memref<32x512xf32, #tpu.memory_space<vmem>>, vector<16xf32>,
      %add3A_132 = arith.constant 5 : i32
      %add3A_133 = vector.broadcast %add3A_132 : i32 to vector<16xi32>
      %add3A_134 = arith.addi %shift_left3A_91, %add3A_133 : vector<16xi32>
      %gather3A_135 = tpu.vector_load_idx %arg18[%add3A_93, %add3A_134] : memref<512x128xf32, #tpu.memory_space<vmem>>[vector<16xi32>, vector<16xi32>], vector<16xf32>,
      %swap3A_136 = arith.constant 21 : i32
      %swap3A_137 = arith.index_cast %swap3A_136 : i32 to index
      %swap3A_138 = arith.index_cast %mul3A_86 : i32 to index
      %swap3A_139 = tpu.vector_load %arg21[%swap3A_137, %swap3A_138] {strides = array<i32>} : memref<32x512xf32, #tpu.memory_space<vmem>>, vector<16xf32>,
      tpu.vector_store %arg21[%swap3A_137, %swap3A_138], %gather3A_135 {strides = array<i32>} : memref<32x512xf32, #tpu.memory_space<vmem>>, vector<16xf32>,
      %add3A_140 = arith.constant 6 : i32
      %add3A_141 = vector.broadcast %add3A_140 : i32 to vector<16xi32>
      %add3A_142 = arith.addi %shift_left3A_91, %add3A_141 : vector<16xi32>
      %gather3A_143 = tpu.vector_load_idx %arg18[%add3A_93, %add3A_142] : memref<512x128xf32, #tpu.memory_space<vmem>>[vector<16xi32>, vector<16xi32>], vector<16xf32>,
      %swap3A_144 = arith.constant 22 : i32
      %swap3A_145 = arith.index_cast %swap3A_144 : i32 to index
      %swap3A_146 = arith.index_cast %mul3A_86 : i32 to index
      %swap3A_147 = tpu.vector_load %arg21[%swap3A_145, %swap3A_146] {strides = array<i32>} : memref<32x512xf32, #tpu.memory_space<vmem>>, vector<16xf32>,
      tpu.vector_store %arg21[%swap3A_145, %swap3A_146], %gather3A_143 {strides = array<i32>} : memref<32x512xf32, #tpu.memory_space<vmem>>, vector<16xf32>,
      %add3A_148 = arith.constant 7 : i32
      %add3A_149 = vector.broadcast %add3A_148 : i32 to vector<16xi32>
      %add3A_150 = arith.addi %shift_left3A_91, %add3A_149 : vector<16xi32>
      %gather3A_151 = tpu.vector_load_idx %arg18[%add3A_93, %add3A_150] : memref<512x128xf32, #tpu.memory_space<vmem>>[vector<16xi32>, vector<16xi32>], vector<16xf32>,
      %swap3A_152 = arith.constant 23 : i32
      %swap3A_153 = arith.index_cast %swap3A_152 : i32 to index
      %swap3A_154 = arith.index_cast %mul3A_86 : i32 to index
      %swap3A_155 = tpu.vector_load %arg21[%swap3A_153, %swap3A_154] {strides = array<i32>} : memref<32x512xf32, #tpu.memory_space<vmem>>, vector<16xf32>,
      tpu.vector_store %arg21[%swap3A_153, %swap3A_154], %gather3A_151 {strides = array<i32>} : memref<32x512xf32, #tpu.memory_space<vmem>>, vector<16xf32>,
      %add3A_156 = arith.constant 8 : i32
      %add3A_157 = vector.broadcast %add3A_156 : i32 to vector<16xi32>
      %add3A_158 = arith.addi %shift_left3A_91, %add3A_157 : vector<16xi32>
      %gather3A_159 = tpu.vector_load_idx %arg18[%add3A_93, %add3A_158] : memref<512x128xf32, #tpu.memory_space<vmem>>[vector<16xi32>, vector<16xi32>], vector<16xf32>,
      %swap3A_160 = arith.constant 24 : i32
      %swap3A_161 = arith.index_cast %swap3A_160 : i32 to index
      %swap3A_162 = arith.index_cast %mul3A_86 : i32 to index
      %swap3A_163 = tpu.vector_load %arg21[%swap3A_161, %swap3A_162] {strides = array<i32>} : memref<32x512xf32, #tpu.memory_space<vmem>>, vector<16xf32>,
      tpu.vector_store %arg21[%swap3A_161, %swap3A_162], %gather3A_159 {strides = array<i32>} : memref<32x512xf32, #tpu.memory_space<vmem>>, vector<16xf32>,
      %add3A_164 = arith.constant 9 : i32
      %add3A_165 = vector.broadcast %add3A_164 : i32 to vector<16xi32>
      %add3A_166 = arith.addi %shift_left3A_91, %add3A_165 : vector<16xi32>
      %gather3A_167 = tpu.vector_load_idx %arg18[%add3A_93, %add3A_166] : memref<512x128xf32, #tpu.memory_space<vmem>>[vector<16xi32>, vector<16xi32>], vector<16xf32>,
      %swap3A_168 = arith.constant 25 : i32
      %swap3A_169 = arith.index_cast %swap3A_168 : i32 to index
      %swap3A_170 = arith.index_cast %mul3A_86 : i32 to index
      %swap3A_171 = tpu.vector_load %arg21[%swap3A_169, %swap3A_170] {strides = array<i32>} : memref<32x512xf32, #tpu.memory_space<vmem>>, vector<16xf32>,
      tpu.vector_store %arg21[%swap3A_169, %swap3A_170], %gather3A_167 {strides = array<i32>} : memref<32x512xf32, #tpu.memory_space<vmem>>, vector<16xf32>,
      %add3A_172 = arith.constant 10 : i32
      %add3A_173 = vector.broadcast %add3A_172 : i32 to vector<16xi32>
      %add3A_174 = arith.addi %shift_left3A_91, %add3A_173 : vector<16xi32>
      %gather3A_175 = tpu.vector_load_idx %arg18[%add3A_93, %add3A_174] : memref<512x128xf32, #tpu.memory_space<vmem>>[vector<16xi32>, vector<16xi32>], vector<16xf32>,
      %swap3A_176 = arith.constant 26 : i32
      %swap3A_177 = arith.index_cast %swap3A_176 : i32 to index
      %swap3A_178 = arith.index_cast %mul3A_86 : i32 to index
      %swap3A_179 = tpu.vector_load %arg21[%swap3A_177, %swap3A_178] {strides = array<i32>} : memref<32x512xf32, #tpu.memory_space<vmem>>, vector<16xf32>,
      tpu.vector_store %arg21[%swap3A_177, %swap3A_178], %gather3A_175 {strides = array<i32>} : memref<32x512xf32, #tpu.memory_space<vmem>>, vector<16xf32>,
      %add3A_180 = arith.constant 11 : i32
      %add3A_181 = vector.broadcast %add3A_180 : i32 to vector<16xi32>
      %add3A_182 = arith.addi %shift_left3A_91, %add3A_181 : vector<16xi32>
      %gather3A_183 = tpu.vector_load_idx %arg18[%add3A_93, %add3A_182] : memref<512x128xf32, #tpu.memory_space<vmem>>[vector<16xi32>, vector<16xi32>], vector<16xf32>,
      %swap3A_184 = arith.constant 27 : i32
      %swap3A_185 = arith.index_cast %swap3A_184 : i32 to index
      %swap3A_186 = arith.index_cast %mul3A_86 : i32 to index
      %swap3A_187 = tpu.vector_load %arg21[%swap3A_185, %swap3A_186] {strides = array<i32>} : memref<32x512xf32, #tpu.memory_space<vmem>>, vector<16xf32>,
      tpu.vector_store %arg21[%swap3A_185, %swap3A_186], %gather3A_183 {strides = array<i32>} : memref<32x512xf32, #tpu.memory_space<vmem>>, vector<16xf32>,
      %add3A_188 = arith.constant 12 : i32
      %add3A_189 = vector.broadcast %add3A_188 : i32 to vector<16xi32>
      %add3A_190 = arith.addi %shift_left3A_91, %add3A_189 : vector<16xi32>
      %gather3A_191 = tpu.vector_load_idx %arg18[%add3A_93, %add3A_190] : memref<512x128xf32, #tpu.memory_space<vmem>>[vector<16xi32>, vector<16xi32>], vector<16xf32>,
      %swap3A_192 = arith.constant 28 : i32
      %swap3A_193 = arith.index_cast %swap3A_192 : i32 to index
      %swap3A_194 = arith.index_cast %mul3A_86 : i32 to index
      %swap3A_195 = tpu.vector_load %arg21[%swap3A_193, %swap3A_194] {strides = array<i32>} : memref<32x512xf32, #tpu.memory_space<vmem>>, vector<16xf32>,
      tpu.vector_store %arg21[%swap3A_193, %swap3A_194], %gather3A_191 {strides = array<i32>} : memref<32x512xf32, #tpu.memory_space<vmem>>, vector<16xf32>,
      %add3A_196 = arith.constant 13 : i32
      %add3A_197 = vector.broadcast %add3A_196 : i32 to vector<16xi32>
      %add3A_198 = arith.addi %shift_left3A_91, %add3A_197 : vector<16xi32>
      %gather3A_199 = tpu.vector_load_idx %arg18[%add3A_93, %add3A_198] : memref<512x128xf32, #tpu.memory_space<vmem>>[vector<16xi32>, vector<16xi32>], vector<16xf32>,
      %swap3A_200 = arith.constant 29 : i32
      %swap3A_201 = arith.index_cast %swap3A_200 : i32 to index
      %swap3A_202 = arith.index_cast %mul3A_86 : i32 to index
      %swap3A_203 = tpu.vector_load %arg21[%swap3A_201, %swap3A_202] {strides = array<i32>} : memref<32x512xf32, #tpu.memory_space<vmem>>, vector<16xf32>,
      tpu.vector_store %arg21[%swap3A_201, %swap3A_202], %gather3A_199 {strides = array<i32>} : memref<32x512xf32, #tpu.memory_space<vmem>>, vector<16xf32>,
      %add3A_204 = arith.constant 14 : i32
      %add3A_205 = vector.broadcast %add3A_204 : i32 to vector<16xi32>
      %add3A_206 = arith.addi %shift_left3A_91, %add3A_205 : vector<16xi32>
      %gather3A_207 = tpu.vector_load_idx %arg18[%add3A_93, %add3A_206] : memref<512x128xf32, #tpu.memory_space<vmem>>[vector<16xi32>, vector<16xi32>], vector<16xf32>,
      %swap3A_208 = arith.constant 30 : i32
      %swap3A_209 = arith.index_cast %swap3A_208 : i32 to index
      %swap3A_210 = arith.index_cast %mul3A_86 : i32 to index
      %swap3A_211 = tpu.vector_load %arg21[%swap3A_209, %swap3A_210] {strides = array<i32>} : memref<32x512xf32, #tpu.memory_space<vmem>>, vector<16xf32>,
      tpu.vector_store %arg21[%swap3A_209, %swap3A_210], %gather3A_207 {strides = array<i32>} : memref<32x512xf32, #tpu.memory_space<vmem>>, vector<16xf32>,
      %add3A_212 = arith.constant 15 : i32
      %add3A_213 = vector.broadcast %add3A_212 : i32 to vector<16xi32>
      %add3A_214 = arith.addi %shift_left3A_91, %add3A_213 : vector<16xi32>
      %gather3A_215 = tpu.vector_load_idx %arg18[%add3A_93, %add3A_214] : memref<512x128xf32, #tpu.memory_space<vmem>>[vector<16xi32>, vector<16xi32>], vector<16xf32>,
      %swap3A_216 = arith.constant 31 : i32
      %swap3A_217 = arith.index_cast %swap3A_216 : i32 to index
      %swap3A_218 = arith.index_cast %mul3A_86 : i32 to index
      %swap3A_219 = tpu.vector_load %arg21[%swap3A_217, %swap3A_218] {strides = array<i32>} : memref<32x512xf32, #tpu.memory_space<vmem>>, vector<16xf32>,
      tpu.vector_store %arg21[%swap3A_217, %swap3A_218], %gather3A_215 {strides = array<i32>} : memref<32x512xf32, #tpu.memory_space<vmem>>, vector<16xf32>,
      %scan3A_220 = arith.constant 0 : i32
      scf.yield %scan3A_220 : i32
    }
    %scan3A_82 = arith.constant 32 : i32
    "tpu.region"() ({
      %run_scoped3A = tpu.sem_alloc : memref<!tpu.dma_semaphore, #tpu.memory_space<semaphore_mem>>
      %dma_start3A_83 = arith.constant 0 : i32
      %dma_start3A_84 = tpu.memref_slice %arg10[%dma_start3A_83, %mul3A_2] : memref<16x16384xf32, #tpu.memory_space<hbm>> -> memref<16x512xf32, #tpu.memory_space<hbm>>
      %dma_start3A_85 = arith.constant 0 : i32
      %dma_start3A_86 = tpu.memref_slice %arg10[%dma_start3A_85, %mul3A_2] : memref<16x16384xf32, #tpu.memory_space<hbm>> -> memref<16x512xf32, #tpu.memory_space<hbm>>
      tpu.enqueue_dma source(%arg19 : memref<16x512xf32, #tpu.memory_space<vmem>>) target(%dma_start3A_86 : memref<16x512xf32, #tpu.memory_space<hbm>>) target_semaphore(%run_scoped3A : memref<!tpu.dma_semaphore, #tpu.memory_space<semaphore_mem>>)
      %dma_wait3A_87 = arith.constant 0 : i32
      %dma_wait3A_88 = tpu.memref_slice %arg10[%dma_wait3A_87, %mul3A_2] : memref<16x16384xf32, #tpu.memory_space<hbm>> -> memref<16x512xf32, #tpu.memory_space<hbm>>
      %dma_wait3A_89 = arith.constant 0 : i32
      %dma_wait3A_90 = tpu.memref_slice %arg10[%dma_wait3A_89, %mul3A_2] : memref<16x16384xf32, #tpu.memory_space<hbm>> -> memref<16x512xf32, #tpu.memory_space<hbm>>
      tpu.wait_dma2 semaphore(%run_scoped3A : memref<!tpu.dma_semaphore, #tpu.memory_space<semaphore_mem>>) src(%arg19 : memref<16x512xf32, #tpu.memory_space<vmem>>) dst(%dma_wait3A_90 : memref<16x512xf32, #tpu.memory_space<hbm>>)
      tpu.yield
    }) : () -> ()
    "tpu.region"() ({
      %run_scoped3A = tpu.sem_alloc : memref<!tpu.dma_semaphore, #tpu.memory_space<semaphore_mem>>
      %dma_start3A_83 = arith.constant 0 : i32
      %dma_start3A_84 = tpu.memref_slice %arg11[%dma_start3A_83, %mul3A_2] : memref<16x16384xf32, #tpu.memory_space<hbm>> -> memref<16x512xf32, #tpu.memory_space<hbm>>
      %dma_start3A_85 = arith.constant 0 : i32
      %dma_start3A_86 = tpu.memref_slice %arg11[%dma_start3A_85, %mul3A_2] : memref<16x16384xf32, #tpu.memory_space<hbm>> -> memref<16x512xf32, #tpu.memory_space<hbm>>
      tpu.enqueue_dma source(%arg20 : memref<16x512xf32, #tpu.memory_space<vmem>>) target(%dma_start3A_86 : memref<16x512xf32, #tpu.memory_space<hbm>>) target_semaphore(%run_scoped3A : memref<!tpu.dma_semaphore, #tpu.memory_space<semaphore_mem>>)
      %dma_wait3A_87 = arith.constant 0 : i32
      %dma_wait3A_88 = tpu.memref_slice %arg11[%dma_wait3A_87, %mul3A_2] : memref<16x16384xf32, #tpu.memory_space<hbm>> -> memref<16x512xf32, #tpu.memory_space<hbm>>
      %dma_wait3A_89 = arith.constant 0 : i32
      %dma_wait3A_90 = tpu.memref_slice %arg11[%dma_wait3A_89, %mul3A_2] : memref<16x16384xf32, #tpu.memory_space<hbm>> -> memref<16x512xf32, #tpu.memory_space<hbm>>
      tpu.wait_dma2 semaphore(%run_scoped3A : memref<!tpu.dma_semaphore, #tpu.memory_space<semaphore_mem>>) src(%arg20 : memref<16x512xf32, #tpu.memory_space<vmem>>) dst(%dma_wait3A_90 : memref<16x512xf32, #tpu.memory_space<hbm>>)
      tpu.yield
    }) : () -> ()
    "tpu.region"() ({
      %run_scoped3A = tpu.sem_alloc : memref<!tpu.dma_semaphore, #tpu.memory_space<semaphore_mem>>
      %dma_start3A_83 = arith.constant 0 : i32
      %dma_start3A_84 = tpu.memref_slice %arg12[%dma_start3A_83, %mul3A_2] : memref<32x16384xf32, #tpu.memory_space<hbm>> -> memref<32x512xf32, #tpu.memory_space<hbm>>
      %dma_start3A_85 = arith.constant 0 : i32
      %dma_start3A_86 = tpu.memref_slice %arg12[%dma_start3A_85, %mul3A_2] : memref<32x16384xf32, #tpu.memory_space<hbm>> -> memref<32x512xf32, #tpu.memory_space<hbm>>
      tpu.enqueue_dma source(%arg21 : memref<32x512xf32, #tpu.memory_space<vmem>>) target(%dma_start3A_86 : memref<32x512xf32, #tpu.memory_space<hbm>>) target_semaphore(%run_scoped3A : memref<!tpu.dma_semaphore, #tpu.memory_space<semaphore_mem>>)
      %dma_wait3A_87 = arith.constant 0 : i32
      %dma_wait3A_88 = tpu.memref_slice %arg12[%dma_wait3A_87, %mul3A_2] : memref<32x16384xf32, #tpu.memory_space<hbm>> -> memref<32x512xf32, #tpu.memory_space<hbm>>
      %dma_wait3A_89 = arith.constant 0 : i32
      %dma_wait3A_90 = tpu.memref_slice %arg12[%dma_wait3A_89, %mul3A_2] : memref<32x16384xf32, #tpu.memory_space<hbm>> -> memref<32x512xf32, #tpu.memory_space<hbm>>
      tpu.wait_dma2 semaphore(%run_scoped3A : memref<!tpu.dma_semaphore, #tpu.memory_space<semaphore_mem>>) src(%arg21 : memref<32x512xf32, #tpu.memory_space<vmem>>) dst(%dma_wait3A_90 : memref<32x512xf32, #tpu.memory_space<hbm>>)
      tpu.yield
    }) : () -> ()
    return
  }
}

module attributes {stable_mosaic.version = 14 : i64} {
  func.func @_tc_head_body(%arg0: i32, %arg1: memref<16x1024xf32, #tpu.memory_space<vmem>>, %arg2: memref<16x1024xf32, #tpu.memory_space<vmem>>, %arg3: memref<32x1024xf32, #tpu.memory_space<vmem>>, %arg4: memref<32x32xf32, #tpu.memory_space<vmem>>, %arg5: memref<32x1xf32, #tpu.memory_space<vmem>>, %arg6: memref<16x32xf32, #tpu.memory_space<vmem>>, %arg7: memref<16x1xf32, #tpu.memory_space<vmem>>, %arg8: memref<1x16xf32, #tpu.memory_space<vmem>>, %arg9: memref<1x16xf32, #tpu.memory_space<vmem>>, %arg10: memref<1x1xf32, #tpu.memory_space<vmem>>, %arg11: memref<1x1024xf32, #tpu.memory_space<vmem>>) attributes {dimension_semantics = [#tpu.dimension_semantics<arbitrary>], iteration_bounds = array<i64: 16>, scalar_prefetch = 0 : i64, scratch_operands = 0 : i64, tpu.core_type = #tpu.core_type<tc>, window_params = [{transform_indices = @transform_0, window_bounds = array<i64: 16, 1024>}, {transform_indices = @transform_1, window_bounds = array<i64: 16, 1024>}, {transform_indices = @transform_2, window_bounds = array<i64: 32, 1024>}, {pipeline_mode = #tpu.pipeline_mode<synchronous>, transform_indices = @transform_3, window_bounds = array<i64: 32, 32>}, {pipeline_mode = #tpu.pipeline_mode<synchronous>, transform_indices = @transform_4, window_bounds = array<i64: 32, 1>}, {pipeline_mode = #tpu.pipeline_mode<synchronous>, transform_indices = @transform_5, window_bounds = array<i64: 16, 32>}, {pipeline_mode = #tpu.pipeline_mode<synchronous>, transform_indices = @transform_6, window_bounds = array<i64: 16, 1>}, {pipeline_mode = #tpu.pipeline_mode<synchronous>, transform_indices = @transform_7, window_bounds = array<i64: 1, 16>}, {pipeline_mode = #tpu.pipeline_mode<synchronous>, transform_indices = @transform_8, window_bounds = array<i64: 1, 16>}, {pipeline_mode = #tpu.pipeline_mode<synchronous>, transform_indices = @transform_9, window_bounds = array<i64: 1, 1>}, {transform_indices = @transform_10, window_bounds = array<i64: 1, 1024>}]} {
    %get3A = arith.constant 0 : index
    %get3A_0 = arith.constant 0 : index
    %get3A_1 = vector.load %arg1[%get3A, %get3A_0] : memref<16x1024xf32, #tpu.memory_space<vmem>>, vector<16x1024xf32>
    %get3A_2 = arith.constant 0 : index
    %get3A_3 = arith.constant 0 : index
    %get3A_4 = vector.load %arg2[%get3A_2, %get3A_3] : memref<16x1024xf32, #tpu.memory_space<vmem>>, vector<16x1024xf32>
    %mul3A = arith.mulf %get3A_1, %get3A_4 : vector<16x1024xf32>
    %get3A_5 = arith.constant 0 : index
    %get3A_6 = arith.constant 0 : index
    %get3A_7 = vector.load %arg4[%get3A_5, %get3A_6] : memref<32x32xf32, #tpu.memory_space<vmem>>, vector<32x32xf32>
    %get3A_8 = arith.constant 0 : index
    %get3A_9 = arith.constant 0 : index
    %get3A_10 = vector.load %arg3[%get3A_8, %get3A_9] : memref<32x1024xf32, #tpu.memory_space<vmem>>, vector<32x1024xf32>
    %dot_general3A = arith.constant dense<0.000000e+00> : vector<32x1024xf32>
    %dot_general3A_11 = tpu.matmul %get3A_7, %get3A_10, %dot_general3A {dimension_numbers = #tpu.dot_dimension_numbers<[1], [0], [0], [1], [0, 0, 1, 1], [], []>, transpose_lhs_hint = false} : vector<32x32xf32>, vector<32x1024xf32>, vector<32x1024xf32> -> vector<32x1024xf32>
    %get3A_12 = arith.constant 0 : index
    %get3A_13 = arith.constant 0 : index
    %get3A_14 = vector.load %arg5[%get3A_12, %get3A_13] : memref<32x1xf32, #tpu.memory_space<vmem>>, vector<32x1xf32>
    %add3A = vector.broadcast %get3A_14 : vector<32x1xf32> to vector<32x1024xf32>
    %add3A_15 = arith.addf %dot_general3A_11, %add3A : vector<32x1024xf32>
    %max3A = arith.constant 0.000000e+00 : f32
    %max3A_16 = vector.broadcast %max3A : f32 to vector<32x1024xf32>
    %max3A_17 = arith.maximumf %add3A_15, %max3A_16 : vector<32x1024xf32>
    %get3A_18 = arith.constant 0 : index
    %get3A_19 = arith.constant 0 : index
    %get3A_20 = vector.load %arg6[%get3A_18, %get3A_19] : memref<16x32xf32, #tpu.memory_space<vmem>>, vector<16x32xf32>
    %dot_general3A_21 = arith.constant dense<0.000000e+00> : vector<16x1024xf32>
    %dot_general3A_22 = tpu.matmul %get3A_20, %max3A_17, %dot_general3A_21 {dimension_numbers = #tpu.dot_dimension_numbers<[1], [0], [0], [1], [0, 0, 1, 1], [], []>, transpose_lhs_hint = false} : vector<16x32xf32>, vector<32x1024xf32>, vector<16x1024xf32> -> vector<16x1024xf32>
    %get3A_23 = arith.constant 0 : index
    %get3A_24 = arith.constant 0 : index
    %get3A_25 = vector.load %arg7[%get3A_23, %get3A_24] : memref<16x1xf32, #tpu.memory_space<vmem>>, vector<16x1xf32>
    %add3A_26 = vector.broadcast %get3A_25 : vector<16x1xf32> to vector<16x1024xf32>
    %add3A_27 = arith.addf %dot_general3A_22, %add3A_26 : vector<16x1024xf32>
    %max3A_28 = arith.constant 0.000000e+00 : f32
    %max3A_29 = vector.broadcast %max3A_28 : f32 to vector<16x1024xf32>
    %max3A_30 = arith.maximumf %add3A_27, %max3A_29 : vector<16x1024xf32>
    %get3A_31 = arith.constant 0 : index
    %get3A_32 = arith.constant 0 : index
    %get3A_33 = vector.load %arg8[%get3A_31, %get3A_32] : memref<1x16xf32, #tpu.memory_space<vmem>>, vector<1x16xf32>
    %dot_general3A_34 = arith.constant dense<0.000000e+00> : vector<1x1024xf32>
    %dot_general3A_35 = tpu.matmul %get3A_33, %mul3A, %dot_general3A_34 {dimension_numbers = #tpu.dot_dimension_numbers<[1], [0], [0], [1], [0, 0, 1, 1], [], []>, transpose_lhs_hint = false} : vector<1x16xf32>, vector<16x1024xf32>, vector<1x1024xf32> -> vector<1x1024xf32>
    %get3A_36 = arith.constant 0 : index
    %get3A_37 = arith.constant 0 : index
    %get3A_38 = vector.load %arg9[%get3A_36, %get3A_37] : memref<1x16xf32, #tpu.memory_space<vmem>>, vector<1x16xf32>
    %dot_general3A_39 = arith.constant dense<0.000000e+00> : vector<1x1024xf32>
    %dot_general3A_40 = tpu.matmul %get3A_38, %max3A_30, %dot_general3A_39 {dimension_numbers = #tpu.dot_dimension_numbers<[1], [0], [0], [1], [0, 0, 1, 1], [], []>, transpose_lhs_hint = false} : vector<1x16xf32>, vector<16x1024xf32>, vector<1x1024xf32> -> vector<1x1024xf32>
    %add3A_41 = arith.addf %dot_general3A_35, %dot_general3A_40 : vector<1x1024xf32>
    %get3A_42 = arith.constant 0 : index
    %get3A_43 = arith.constant 0 : index
    %get3A_44 = vector.load %arg10[%get3A_42, %get3A_43] : memref<1x1xf32, #tpu.memory_space<vmem>>, vector<1x1xf32>
    %add3A_45 = vector.broadcast %get3A_44 : vector<1x1xf32> to vector<1x1024xf32>
    %add3A_46 = arith.addf %add3A_41, %add3A_45 : vector<1x1024xf32>
    %logistic3A = arith.negf %add3A_46 : vector<1x1024xf32>
    %logistic3A_47 = math.exp %logistic3A : vector<1x1024xf32>
    %logistic3A_48 = arith.constant 1.000000e+00 : f32
    %logistic3A_49 = vector.broadcast %logistic3A_48 : f32 to vector<1x1024xf32>
    %logistic3A_50 = arith.addf %logistic3A_49, %logistic3A_47 : vector<1x1024xf32>
    %logistic3A_51 = arith.divf %logistic3A_49, %logistic3A_50 : vector<1x1024xf32>
    %swap3A = arith.constant 0 : index
    %swap3A_52 = arith.constant 0 : index
    %swap3A_53 = vector.load %arg11[%swap3A, %swap3A_52] : memref<1x1024xf32, #tpu.memory_space<vmem>>, vector<1x1024xf32>
    tpu.vector_store %arg11[%swap3A, %swap3A_52], %logistic3A_51 {strides = array<i32>} : memref<1x1024xf32, #tpu.memory_space<vmem>>, vector<1x1024xf32>,
    return
  }
  func.func @transform_0(%arg0: i32) -> (i32, i32) {
    %c0_i32 = arith.constant 0 : i32
    %c0_i32_0 = arith.constant 0 : i32
    return %c0_i32, %arg0 : i32, i32
  }
  func.func @transform_1(%arg0: i32) -> (i32, i32) {
    %c0_i32 = arith.constant 0 : i32
    %c0_i32_0 = arith.constant 0 : i32
    return %c0_i32, %arg0 : i32, i32
  }
  func.func @transform_2(%arg0: i32) -> (i32, i32) {
    %c0_i32 = arith.constant 0 : i32
    %c0_i32_0 = arith.constant 0 : i32
    return %c0_i32, %arg0 : i32, i32
  }
  func.func @transform_3(%arg0: i32) -> (i32, i32) {
    %c0_i32 = arith.constant 0 : i32
    %c0_i32_0 = arith.constant 0 : i32
    %c0_i32_1 = arith.constant 0 : i32
    return %c0_i32, %c0_i32_0 : i32, i32
  }
  func.func @transform_4(%arg0: i32) -> (i32, i32) {
    %c0_i32 = arith.constant 0 : i32
    %c0_i32_0 = arith.constant 0 : i32
    %c0_i32_1 = arith.constant 0 : i32
    return %c0_i32, %c0_i32_0 : i32, i32
  }
  func.func @transform_5(%arg0: i32) -> (i32, i32) {
    %c0_i32 = arith.constant 0 : i32
    %c0_i32_0 = arith.constant 0 : i32
    %c0_i32_1 = arith.constant 0 : i32
    return %c0_i32, %c0_i32_0 : i32, i32
  }
  func.func @transform_6(%arg0: i32) -> (i32, i32) {
    %c0_i32 = arith.constant 0 : i32
    %c0_i32_0 = arith.constant 0 : i32
    %c0_i32_1 = arith.constant 0 : i32
    return %c0_i32, %c0_i32_0 : i32, i32
  }
  func.func @transform_7(%arg0: i32) -> (i32, i32) {
    %c0_i32 = arith.constant 0 : i32
    %c0_i32_0 = arith.constant 0 : i32
    %c0_i32_1 = arith.constant 0 : i32
    return %c0_i32, %c0_i32_0 : i32, i32
  }
  func.func @transform_8(%arg0: i32) -> (i32, i32) {
    %c0_i32 = arith.constant 0 : i32
    %c0_i32_0 = arith.constant 0 : i32
    %c0_i32_1 = arith.constant 0 : i32
    return %c0_i32, %c0_i32_0 : i32, i32
  }
  func.func @transform_9(%arg0: i32) -> (i32, i32) {
    %c0_i32 = arith.constant 0 : i32
    %c0_i32_0 = arith.constant 0 : i32
    %c0_i32_1 = arith.constant 0 : i32
    return %c0_i32, %c0_i32_0 : i32, i32
  }
  func.func @transform_10(%arg0: i32) -> (i32, i32) {
    %c0_i32 = arith.constant 0 : i32
    %c0_i32_0 = arith.constant 0 : i32
    return %c0_i32, %arg0 : i32, i32
  }
}

</mosaic_0001>

<sc_bundles>
// kernel: kernel.4.cloned.1.call-start
scs
__scs_entry_jumppad:
0x0: {  	(pc) =	sbr.rel $0x88, $3  }
0x1: {  	(tag) =	ssettag $0x0;
	lr =	simm.s32 $0x1  }
0x2: {  	[smem:$0x3F8F] =	sst lr;
	_ =	strace $0xD0000000  }
0x3: {  	_ = 	snop  }
0x4: {  	_ = 	snop  }
0x5: {  	_ = 	snop  }
0x6: {  	_ = 	snop  }
0x7: {  	_ = 	snop  }
__scs_overlays_trampoline_lowered:
0x8: {  	[smem:$0x3F9E] =	sst s0  }
0x9: {  	[smem:$0x3F9F] =	sst s1  }
0xa: {  	[smem:$0x3FA0] =	sst s2  }
0xb: {  	[smem:$0x3FA1] =	sst s3  }
0xc: {  	[smem:$0x3FA2] =	sst s4  }
0xd: {  	[smem:$0x3FA3] =	sst s5  }
0xe: {  	[smem:$0x3FA4] =	sst s6  }
0xf: {  	[smem:$0x3FA5] =	sst s7  }
0x10: {  	[smem:$0x3FA6] =	sst s8  }
0x11: {  	[smem:$0x3FA7] =	sst s9;
	s0 =	simm.s32 @!p0 $0x0  }
0x12: {  	s1 =	sld [smem:$0x3F8D];
	s0 =	simm.s32 @p0 $0x1  }
0x13: {  	[smem:$0x3FA8] =	sst s0;
	s0 =	simm.s32 @!p1 $0x0  }
0x14: {  	s2 =	sld [smem:$0x3F8C];
	s0 =	simm.s32 @p1 $0x1  }
0x15: {  	[smem:$0x3FA9] =	sst s0;
	s0 =	simm.s32 @!p2 $0x0  }
0x16: {  	s3 =	sld [smem:$0x3FDB];
	s0 =	simm.s32 @p2 $0x1  }
0x17: {  	s4 =	simm.s32 $0x1BF5;
	[smem:$0x3FAB] =	sst s0  }
0x18: {  	s0 =	sld [smem:$0x3F8E];
	_ =	swait.ge [sflag:s4], $0x0  }
0x19: {  	s7 =	sld [smem:$0x3F8F]  }
0x1a: {  	s8 =	sadd.s32 $0xFFFFE003, lr  }
0x1b: {  	s9 =	sadd.s32 $0xFFFFFEF7, lr;
	s5 =	simm.s32 $0xFFFFFFFF;
	p2 =	slt.u32 s8, $0xFFFFF086  }
0x1c: {  	p1 =	slt.u32 s9, $0xF7A;
	s5 =	simm.s32 @!p2 $0x0  }
0x1d: {  	s5 =	simm.s32 @p1 $0x1;
	p0 =	seq.s32 s7, s2  }
0x1e: {  	s7 =	smul.u32 @!p0 $0xF7A, s2;
	p2 =	seq.s32 @!p0 s5, $0x0  }
0x1f: {  	s9 =	smul.u32 $0xF7A, s1;
	s8 =	simm.s32 @!p0 $0x1BF5;
	p2 =	por !p2, p0  }
0x20: {  	[sflag:s8] =	ssyncset.s32 @!p0 $0xFFFFF086;
	s6 =	sadd.s32 @!p0 s3, s7;
	s7 =	simm.s32 @!p0 $0x108  }
0x21: {  	s3 =	sadd.s32 s3, s9;
	s6 =	sadd.s32 @!p0 $0x88, s6;
	s7 =	simm.s32 @p2 $0x1082  }
0x22: {  	[simem:s7], [sflag:s8] =	dma.local @!p0 [hbm:s6], $0xF7A  }
0x23: {  	s9 =	sor.u32 $0xD0000000, s2;
	s6 =	simm.s32 $0x108;
	_ =	swait.ge @!p0 [sflag:s8], $0x0  }
0x24: {  	s3 =	sadd.s32 $0x88, s3;
	s6 =	simm.s32 @!p1 $0x1082;
	[sflag:s4] =	ssyncset.s32 $0xFFFFF086  }
0x25: {  	[simem:s6], [sflag:s4] =	dma.local [hbm:s3], $0xF7A  }
0x26: {  	[smem:$0x3F8F] =	sst s1;
	(tag) =	ssettag s2;
	_ =	strace s9  }
0x27: {  	s1 =	sld [smem:$0x3F9F]  }
0x28: {  	s2 =	sld [smem:$0x3FA0]  }
0x29: {  	s4 =	sld [smem:$0x3FA2]  }
0x2a: {  	p0 =	seq.s32 s5, $0x0;
	s5 =	sld [smem:$0x3FA3]  }
0x2b: {  	s6 =	sld [smem:$0x3FA4]  }
0x2c: {  	s7 =	sld [smem:$0x3FA5]  }
0x2d: {  	s3 =	simm.s32 $0x108;
	s8 =	sld [smem:$0x3FA6]  }
0x2e: {  	s3 =	simm.s32 @!p0 $0x1082;
	s9 =	sld [smem:$0x3FA7]  }
0x2f: {  	lr =	sadd.s32 s0, s3;
	s0 =	sld [smem:$0x3F9E]  }
0x30: {  	s3 =	sld [smem:$0x3FA1]  }
0x31: {  	[smem:$0x3FAA] =	sst s10  }
0x32: {  	s10 =	sld [smem:$0x3FA8];
	_ =	sdelay $0x3  }
0x33: {  	p0 =	seq.s32 s10, $0x1;
	s10 =	sld [smem:$0x3FAA];
	_ =	sdelay $0x3  }
0x34: {  	[smem:$0x3FAA] =	sst s10  }
0x35: {  	s10 =	sld [smem:$0x3FA9];
	_ =	sdelay $0x3  }
0x36: {  	p1 =	seq.s32 s10, $0x1;
	s10 =	sld [smem:$0x3FAA];
	_ =	sdelay $0x3  }
0x37: {  	[smem:$0x3FAA] =	sst s10  }
0x38: {  	s10 =	sld [smem:$0x3FAB]  }
0x39: {  	_ = 	snop;
	(pc) =	sbr.ind lr, $3  }
0x3a: {  	_ = 	snop  }
0x3b: {  	_ = 	snop  }
0x3c: {  	p2 =	seq.s32 s10, $0x1;
	s10 =	sld [smem:$0x3FAA]  }
0x3d: {  	_ =	shalt  }
0x3e: {  	_ =	shalt  }
0x3f: {  	_ =	shalt  }
0x40: {  	_ =	shalt  }
0x41: {  	_ =	shalt  }
0x42: {  	_ =	shalt  }
0x43: {  	_ =	shalt  }
0x44: {  	_ =	shalt  }
0x45: {  	_ =	shalt  }
0x46: {  	_ =	shalt  }
0x47: {  	_ =	shalt  }
0x48: {  	_ =	shalt  }
0x49: {  	_ =	shalt  }
0x4a: {  	_ =	shalt  }
0x4b: {  	_ =	shalt  }
0x4c: {  	_ =	shalt  }
0x4d: {  	_ =	shalt  }
0x4e: {  	_ =	shalt  }
0x4f: {  	_ =	shalt  }
0x50: {  	_ =	shalt  }
0x51: {  	_ =	shalt  }
0x52: {  	_ =	shalt  }
0x53: {  	_ =	shalt  }
0x54: {  	_ =	shalt  }
0x55: {  	_ =	shalt  }
0x56: {  	_ =	shalt  }
0x57: {  	_ =	shalt  }
0x58: {  	_ =	shalt  }
0x59: {  	_ =	shalt  }
0x5a: {  	_ =	shalt  }
0x5b: {  	_ =	shalt  }
0x5c: {  	_ =	shalt  }
0x5d: {  	_ =	shalt  }
0x5e: {  	_ =	shalt  }
0x5f: {  	_ =	shalt  }
0x60: {  	_ =	shalt  }
0x61: {  	_ =	shalt  }
0x62: {  	_ =	shalt  }
0x63: {  	_ =	shalt  }
0x64: {  	_ =	shalt  }
0x65: {  	_ =	shalt  }
0x66: {  	_ =	shalt  }
0x67: {  	_ =	shalt  }
0x68: {  	_ =	shalt  }
0x69: {  	_ =	shalt  }
0x6a: {  	_ =	shalt  }
0x6b: {  	_ =	shalt  }
0x6c: {  	_ =	shalt  }
0x6d: {  	_ =	shalt  }
0x6e: {  	_ =	shalt  }
0x6f: {  	_ =	shalt  }
0x70: {  	_ =	shalt  }
0x71: {  	_ =	shalt  }
0x72: {  	_ =	shalt  }
0x73: {  	_ =	shalt  }
0x74: {  	_ =	shalt  }
0x75: {  	_ =	shalt  }
0x76: {  	_ =	shalt  }
0x77: {  	_ =	shalt  }
0x78: {  	_ =	shalt  }
0x79: {  	_ =	shalt  }
0x7a: {  	_ =	shalt  }
0x7b: {  	_ =	shalt  }
0x7c: {  	_ =	shalt  }
0x7d: {  	_ =	shalt  }
0x7e: {  	_ =	shalt  }
0x7f: {  	_ =	shalt  }
0x80: {  	_ =	shalt  }
0x81: {  	_ =	shalt  }
0x82: {  	_ =	shalt  }
0x83: {  	_ =	shalt  }
0x84: {  	_ =	shalt  }
0x85: {  	_ =	shalt  }
0x86: {  	_ =	shalt  }
0x87: {  	_ =	shalt  }
.Lfunc_end0:
.L_simem_size_0:
called_computation_lowered:
.L_overlay_start_0:
0x88: {  	s2 =	sld [smem:$0x3FD9]  }
0x89: {  	s3 =	sld [smem:$0x3FFE];
	_ =	sdelay $0x1  }
0x8a: {  	s1 =	srdreg.scid  }
0x8b: {  	s0 =	sand.u32 $0x1, s1  }
0x8c: {  	s17 =	sshll.u32 s0, $0xA;
	s2 =	sadd.s32 s3, s2  }
0x8d: {  	s2 =	sadd.s32 s2, s17  }
0x8e: {  	[smem:$0x3FB6] =	sst s2  }
0x8f: {  	_ = 	snop  }
0x90: {  	s2 =	sld [smem:$0x3FC9]  }
0x91: {  	s18 =	sld [smem:$0x3FC8]  }
0x92: {  	s4 =	sld [smem:$0x3FC7]  }
0x93: {  	s5 =	sld [smem:$0x3FC6];
	(tm) =	ssettm $0x1  }
0x94: {  	s6 =	sld [smem:$0x3FFB];
	_ =	sdelay $0x3  }
0x95: {  	_ =	strace s6  }
0x96: {  	s6 =	sld [smem:$0x3FFC];
	_ =	sdelay $0x3  }
0x97: {  	_ =	strace s6  }
0x98: {  	s6 =	sld [smem:$0x3FFD];
	_ =	sdelay $0x3  }
0x99: {  	_ =	strace s6  }
0x9a: {  	_ =	strace $0x8FFFFFFF  }
0x9b: {  	s19 =	sld [smem:$0x3FDB];
	_ =	sdelay $0x1  }
0x9c: {  	s7 =	simm.s32 $_scs_section_size  }
0x9d: {  	s8 =	simm.s32 $_size__tile_overlayer_lowered;
	s9 =	simm.s32 $_tile_overlayer_lowered  }
0x9e: {  	s22 =	simm.s32 $0x1BFF;
	s21 =	sshll.u32 s9, $0x1;
	s6 =	sadd.s32 s7, s19  }
0x9f: {  	s10 =	simm.s32 $0x0;
	s20 =	sshll.u32 s8, $0x1;
	s8 =	sadd.s32 s21, s6  }
0xa0: {  	[timem:s10], [sflag:s22] =	dma.local [hbm:s8], s20  }
0xa1: {  	_ =	swait.ge [sflag:s22], s20  }
0xa2: {  	s7 =	ssub.s32 $0x0, s20;
	[sflag:s22] =	ssyncset.done $0x0  }
0xa3: {  	[sflag:s22] =	ssyncadd.s32 s7;
	_ =	sdelay $0x1  }
0xa4: {  	s23 =	simm.s32 $0x1B8B  }
0xa5: {  	_ =	swait.ge [sflag:s23], $0x1  }
0xa6: {  	[sflag:s23] =	ssyncset.done $0x0  }
0xa7: {  	s25 =	simm.s32 $0x1B8E;
	s24 =	sld [smem:$0x3FFE];
	[sflag:s23] =	ssyncadd.s32 $0xFFFFFFFF  }
0xa8: {  	s26 =	simm.s32 $execute0_lowered;
	[smem:$0x3FD2] =	sst s25  }
0xa9: {  	s8 =	sshll.u32 s26, $0x1;
	_ =	strace $0x80000046;
	[dreg:$0x1] =	wrdreg $0xFFFFFFFF  }
0xaa: {  	s28 =	simm.s32 $_size_execute0_lowered;
	s6 =	sadd.s32 s6, s8;
	[dreg:$0x0] =	wrdreg $0x0  }
0xab: {  	s8 =	sshll.u32 s28, $0x1;
	[dreg:$0x2] =	wrdreg s6  }
0xac: {  	[dreg:$0x3] =	wrdreg s8  }
0xad: {  	[dreg:$0x4] =	wrdreg $0xC0  }
0xae: {  	_ =	task [dreg:s10], $0x5FFFF  }
0xaf: {  	[dreg:$0x1] =	wrdreg $0xFFFFFFFF  }
0xb0: {  	[dreg:$0x0] =	wrdreg $0x60  }
0xb1: {  	[dreg:$0x2] =	wrdreg s2  }
0xb2: {  	[dreg:$0x3] =	wrdreg s18  }
0xb3: {  	[dreg:$0x4] =	wrdreg s4  }
0xb4: {  	[dreg:$0x5] =	wrdreg s5  }
0xb5: {  	[dreg:$0x6] =	wrdreg s24  }
0xb6: {  	[dreg:$0x7] =	wrdreg $0x9  }
0xb7: {  	_ =	task.clear_ibuf [dreg:s10], $0x8FFFF;
	_ =	strace $0x90000046  }
0xb8: {  	s29 =	simm.s32 $0x9;
	_ =	strace $0x80000048  }
0xb9: {  	_ =	swait.ge [sflag:s29], $0x1  }
0xba: {  	[sflag:s29] =	ssyncadd.s32 $0xFFFFFFFF  }
0xbb: {  	_ =	strace $0x90000048  }
0xbc: {  	_ =	sfence  }
0xbd: {  	s30 =	sld [smem:$0x0];
	_ =	sdelay $0x2  }
0xbe: {  	s31 =	sshll.u32 s1, $0xD;
	s1 =	sshrl.u32 s1, $0x2  }
0xbf: {  	s3 =	sand.u32 $0x4000, s31;
	s1 =	sadd.s32 s1, s30  }
0xc0: {  	s0 =	sor.u32 s3, s0;
	s1 =	sshll.u32 s1, $0x11  }
0xc1: {  	s0 =	sor.u32 s1, s0  }
0xc2: {  	s0 =	sadd.s32 $0x8F2B, s0  }
0xc3: {  	[sflag:s0] =	ssyncadd.remote.s32 $0x1  }
0xc4: {  	_ =	sfence.sel $0xFFFF  }
0xc5: {  	[dreg:$0x0] =	wrdreg $0xFFFFFFFF;
	(pc) =	sbr.abs _section_cstart, $3  }
0xc6: {  	[dreg:$0x1] =	wrdreg $0xFFFFFFFF  }
0xc7: {  	_ =	task.clear_ibuf [dreg:s10], $0x2FFFF;
	_ =	strace $0x9FFFFFFF  }
0xc8: {  	(tm) =	ssettm $0x7FFFFFFF  }
0xc9: {  	_ =	shalt  }
tec
execute0_lowered:
.L_overlay_start_1:
0x0: {  	(tag) =	ssettag $0x1  }
0x1: {  	s0 =	rddreg [dreg:$0x0]  }
0x2: {  	s2 =	rddreg [dreg:$0x1]  }
0x3: {  	s9 =	rddreg [dreg:$0x2]  }
0x4: {  	s10 =	rddreg [dreg:$0x3]  }
0x5: {  	s7 =	rddreg [dreg:$0x4];
	s1 =	simm.s32 $0x0;
	s6 =	srdreg.scid  }
0x6: {  	s8 =	stileid.u32;
	s15 =	simm.s32 $0x2;
	s16 =	simm.s32 $0x200  }
0x7: {  	s17 =	simm.s32 $0x800;
	s18 =	simm.s32 $0xA00;
	s19 =	simm.s32 $0x1  }
0x8: {  	s21 =	simm.s32 $0x600;
	s22 =	simm.s32 $0x1000;
	s23 =	simm.s32 $0x20000  }
0x9: {  	s24 =	simm.s32 $0x10A00;
	s25 =	simm.s32 $0x12A00;
	s26 =	simm.s32 $0x14A00  }
0xa: {  	s28 =	simm.s32 $0x0;
	[smem:$0x7FF] =	sst s1;
	s3 =	sadd.s32 $0xF44400, s7  }
0xb: {  	s4 =	sadd.s32 $0x112CA00, s7;
	s5 =	sadd.s32 $0x1315000, s7;
	s6 =	sand.u32 $0x1, s6  }
0xc: {  	s8 =	sshll.u32 s8, $0xA;
	_ =	strace $0x80000047;
	s11 =	sshll.u32 s6, $0x9  }
0xd: {  	s12 =	ssub.s32 $0x2, s6;
	s6 =	sadd.s32 $0x14FD600, s7;
	s8 =	sor.u32 s11, s8  }
0xe: {  	s30 =	sshrl.u32 s12, $0x1;
	s13 =	sadd.s32 s8, s7;
	s31 =	sshrl.u32 s8, $0x3  }
0xf: {  	s14 =	ssub.s32 s12, s30;
	s7 =	sadd.s32 s0, s31;
	s8 =	sadd.s32 s2, s31  }
0x10: {  	v0 =	vlaneseq.u32;
	s9 =	sadd.s32 s9, s31;
	s10 =	sadd.s32 s10, s31;
	s11 =	sadd.s32 $0x12000, s13  }
0x11: {  	v0 =	vmul.u32 $0x80, v0;
	s12 =	sadd.s32 $0x1A000, s13;
	s13 =	sadd.s32 $0x2000, s13;
	s14 =	smax.u32 s14, $0x1  }
.LBB2_1:
0x12: {  	[tilespmem:s1], [sflag:$0x2] =	stream.linear.gather [hbm4b:s7+s1], $0x200, $0x38;
	[tilespmem:$0x18A00] =	vst v63  }
0x13: {  	_ =	swait.ge [sflag:s15], $0x200  }
0x14: {  	[sflag:s15] =	ssyncset.done $0x0  }
0x15: {  	s0 =	simm.s32 $0x0;
	[sflag:s15] =	ssyncadd.s32 $0xFFFFFE00  }
0x16: {  	s2 =	simm.s32 $0x40;
	v1 =	vld [tilespmem:s0+$0x0]  }
.LBB2_2:
0x17: {  	p0 =	sne.s32 s2, $0x7C0  }
.Ltmp0:
0x18: {  	_ = 	snop;
	(pc) =	sbr.rel @p0 .LBB2_2-.Ltmp0, $3  }
0x19: {  	_ =	sdelay $0x1  }
0x1a: {  	s29 =	sshra.s32 s2, $0x2;
	s2 =	sadd.s32 $0x40, s2;
	v2 =	vshra.s32 v1, $0x3  }
0x1b: {  	v1 =	vld [tilespmem:s29+$0x0];
	[tilespmem:s0+$0x800] =	vst v2;
	s0 =	smov.u32 s29  }
0x1c: {  	_ =	sdelay $0x3  }
0x1d: {  	v1 =	vshra.s32 v1, $0x3  }
0x1e: {  	[tilespmem:s0+$0x800] =	vst v1  }
0x1f: {  	[tilespmem:s18], [sflag:$0x1] =	stream.indirect.gather [hbm4b:s3+s16], $0x80, s17, s16, $0xb8;
	[tilespmem:$0x18A00] =	vst v63  }
0x20: {  	_ =	swait.ge [sflag:s19], $0x10000  }
0x21: {  	[sflag:s19] =	ssyncset.done $0x0  }
0x22: {  	s29 =	simm.s32 $0x0;
	[sflag:s19] =	ssyncadd.s32 $0xFFFF0000  }
0x23: {  	v1 =	vld [tilespmem:s29+$0x0];
	_ =	sdelay $0x3  }
0x24: {  	v2 =	vmov s29  }
0x25: {  	v2 =	vshll.u32 v2, $0x7;
	v1 =	vshll.u32 v1, $0x4  }
0x26: {  	v2 =	vor.u32 v0, v2;
	v1 =	vand.u32 $0x70, v1  }
0x27: {  	v1 =	vor.u32 v2, v1;
	_ =	sdelay $0x4  }
0x28: {  	v2 =	vld.idx.msk [tilespmem:v1+s18+$0x0], $0xffff  }
0x29: {  	v3 =	vor.u32 $0x1, v1;
	_ =	sdelay $0x1  }
0x2a: {  	s20 =	sand.u32 $0x70, s29;
	s2 =	sand.u32 $0xC00, s29  }
0x2b: {  	s30 =	sor.u32 s20, s2  }
0x2c: {  	[tilespmem:s30+$0x10A00] =	vst v2  }
0x2d: {  	v2 =	vld.idx.msk [tilespmem:v3+s18+$0x0], $0xffff  }
0x2e: {  	v3 =	vor.u32 $0x2, v1;
	_ =	sdelay $0x2  }
0x2f: {  	s0 =	sadd.s32 $0x10A00, s30  }
0x30: {  	[tilespmem:s0+$0x80] =	vst v2  }
0x31: {  	v2 =	vld.idx.msk [tilespmem:v3+s18+$0x0], $0xffff  }
0x32: {  	v3 =	vor.u32 $0x3, v1;
	_ =	sdelay $0x3  }
0x33: {  	[tilespmem:s0+$0x100] =	vst v2  }
0x34: {  	v2 =	vld.idx.msk [tilespmem:v3+s18+$0x0], $0xffff  }
0x35: {  	v3 =	vor.u32 $0x4, v1;
	_ =	sdelay $0x3  }
0x36: {  	[tilespmem:s0+$0x180] =	vst v2  }
0x37: {  	v2 =	vld.idx.msk [tilespmem:v3+s18+$0x0], $0xffff  }
0x38: {  	v3 =	vor.u32 $0x5, v1;
	_ =	sdelay $0x3  }
0x39: {  	[tilespmem:s0+$0x200] =	vst v2  }
0x3a: {  	v2 =	vld.idx.msk [tilespmem:v3+s18+$0x0], $0xffff  }
0x3b: {  	v3 =	vor.u32 $0x6, v1;
	_ =	sdelay $0x3  }
0x3c: {  	[tilespmem:s0+$0x280] =	vst v2  }
0x3d: {  	v2 =	vld.idx.msk [tilespmem:v3+s18+$0x0], $0xffff  }
0x3e: {  	v3 =	vor.u32 $0x7, v1;
	_ =	sdelay $0x3  }
0x3f: {  	[tilespmem:s0+$0x300] =	vst v2  }
0x40: {  	v2 =	vld.idx.msk [tilespmem:v3+s18+$0x0], $0xffff  }
0x41: {  	v3 =	vor.u32 $0x8, v1;
	_ =	sdelay $0x1  }
0x42: {  	s20 =	sor.u32 s29, s29  }
0x43: {  	s0 =	sor.u32 $0x380, s20  }
0x44: {  	[tilespmem:s0+$0x10A00] =	vst v2  }
0x45: {  	v2 =	vld.idx.msk [tilespmem:v3+s18+$0x0], $0xffff  }
0x46: {  	v3 =	vor.u32 $0x9, v1;
	_ =	sdelay $0x3  }
0x47: {  	[tilespmem:s30+$0x11A00] =	vst v2  }
0x48: {  	v2 =	vld.idx.msk [tilespmem:v3+s18+$0x0], $0xffff  }
0x49: {  	v3 =	vor.u32 $0xA, v1;
	_ =	sdelay $0x3  }
0x4a: {  	[tilespmem:s30+$0x11A80] =	vst v2  }
0x4b: {  	v2 =	vld.idx.msk [tilespmem:v3+s18+$0x0], $0xffff  }
0x4c: {  	v3 =	vor.u32 $0xB, v1;
	_ =	sdelay $0x3  }
0x4d: {  	[tilespmem:s30+$0x11B00] =	vst v2  }
0x4e: {  	v2 =	vld.idx.msk [tilespmem:v3+s18+$0x0], $0xffff  }
0x4f: {  	v3 =	vor.u32 $0xC, v1;
	_ =	sdelay $0x3  }
0x50: {  	[tilespmem:s30+$0x11B80] =	vst v2  }
0x51: {  	v2 =	vld.idx.msk [tilespmem:v3+s18+$0x0], $0xffff  }
0x52: {  	v3 =	vor.u32 $0xD, v1;
	_ =	sdelay $0x3  }
0x53: {  	[tilespmem:s30+$0x11C00] =	vst v2  }
0x54: {  	v2 =	vld.idx.msk [tilespmem:v3+s18+$0x0], $0xffff  }
0x55: {  	v3 =	vor.u32 $0xE, v1;
	_ =	sdelay $0x3  }
0x56: {  	[tilespmem:s30+$0x11C80] =	vst v2  }
0x57: {  	v2 =	vld.idx.msk [tilespmem:v3+s18+$0x0], $0xffff  }
0x58: {  	v1 =	vor.u32 $0xF, v1;
	_ =	sdelay $0x3  }
0x59: {  	[tilespmem:s30+$0x11D00] =	vst v2  }
0x5a: {  	s31 =	simm.s32 $0x10;
	s0 =	simm.s32 $0x0;
	v1 =	vld.idx.msk [tilespmem:v1+s18+$0x0], $0xffff  }
.LBB2_4:
0x5b: {  	_ =	sdelay $0x3  }
0x5c: {  	p0 =	sne.s32 s31, $0x1F0;
	s29 =	sadd.s32 $0x80, s29;
	s0 =	sadd.s32 $0x10, s0;
	[tilespmem:s30+$0x11D80] =	vst v1  }
0x5d: {  	s2 =	smov.u32 s31;
	s31 =	sadd.s32 $0x10, s31;
	v1 =	vld [tilespmem:s0+$0x0];
	_ =	sdelay $0x3  }
0x5e: {  	v2 =	vmov s2  }
0x5f: {  	v2 =	vshll.u32 v2, $0x7;
	v1 =	vshll.u32 v1, $0x4  }
0x60: {  	v2 =	vor.u32 v0, v2;
	v1 =	vand.u32 $0x70, v1  }
0x61: {  	v1 =	vor.u32 v2, v1;
	_ =	sdelay $0x4  }
0x62: {  	v2 =	vld.idx.msk [tilespmem:v1+s18+$0x0], $0xffff;
	_ =	sdelay $0x1  }
0x63: {  	v3 =	vor.u32 $0x1, v1;
	_ =	sdelay $0x1  }
0x64: {  	s20 =	sand.u32 $0xC00, s29;
	s30 =	sand.u32 $0x70, s2  }
0x65: {  	s30 =	sor.u32 s30, s20  }
0x66: {  	[tilespmem:s30+$0x10A00] =	vst v2  }
0x67: {  	v2 =	vld.idx.msk [tilespmem:v3+s18+$0x0], $0xffff;
	_ =	sdelay $0x1  }
0x68: {  	v3 =	vor.u32 $0x2, v1;
	_ =	sdelay $0x2  }
0x69: {  	s20 =	sadd.s32 $0x10A00, s30  }
0x6a: {  	[tilespmem:s20+$0x80] =	vst v2  }
0x6b: {  	v2 =	vld.idx.msk [tilespmem:v3+s18+$0x0], $0xffff;
	_ =	sdelay $0x1  }
0x6c: {  	v3 =	vor.u32 $0x3, v1;
	_ =	sdelay $0x3  }
0x6d: {  	[tilespmem:s20+$0x100] =	vst v2  }
0x6e: {  	v2 =	vld.idx.msk [tilespmem:v3+s18+$0x0], $0xffff;
	_ =	sdelay $0x1  }
0x6f: {  	v3 =	vor.u32 $0x4, v1;
	_ =	sdelay $0x3  }
0x70: {  	[tilespmem:s20+$0x180] =	vst v2  }
0x71: {  	v2 =	vld.idx.msk [tilespmem:v3+s18+$0x0], $0xffff;
	_ =	sdelay $0x1  }
0x72: {  	v3 =	vor.u32 $0x5, v1;
	_ =	sdelay $0x3  }
0x73: {  	[tilespmem:s20+$0x200] =	vst v2  }
0x74: {  	v2 =	vld.idx.msk [tilespmem:v3+s18+$0x0], $0xffff;
	_ =	sdelay $0x1  }
0x75: {  	v3 =	vor.u32 $0x6, v1;
	_ =	sdelay $0x3  }
0x76: {  	[tilespmem:s20+$0x280] =	vst v2  }
0x77: {  	v2 =	vld.idx.msk [tilespmem:v3+s18+$0x0], $0xffff;
	_ =	sdelay $0x1  }
0x78: {  	v3 =	vor.u32 $0x7, v1;
	_ =	sdelay $0x3  }
0x79: {  	[tilespmem:s20+$0x300] =	vst v2  }
0x7a: {  	v2 =	vld.idx.msk [tilespmem:v3+s18+$0x0], $0xffff;
	_ =	sdelay $0x1  }
0x7b: {  	v3 =	vor.u32 $0x8, v1;
	_ =	sdelay $0x1  }
0x7c: {  	s2 =	sor.u32 s29, s2  }
0x7d: {  	s2 =	sor.u32 $0x380, s2  }
0x7e: {  	[tilespmem:s2+$0x10A00] =	vst v2  }
0x7f: {  	v2 =	vld.idx.msk [tilespmem:v3+s18+$0x0], $0xffff;
	_ =	sdelay $0x1  }
0x80: {  	v3 =	vor.u32 $0x9, v1;
	_ =	sdelay $0x3  }
0x81: {  	[tilespmem:s30+$0x11A00] =	vst v2  }
0x82: {  	v2 =	vld.idx.msk [tilespmem:v3+s18+$0x0], $0xffff;
	_ =	sdelay $0x1  }
0x83: {  	v3 =	vor.u32 $0xA, v1;
	_ =	sdelay $0x3  }
0x84: {  	[tilespmem:s30+$0x11A80] =	vst v2  }
0x85: {  	v2 =	vld.idx.msk [tilespmem:v3+s18+$0x0], $0xffff;
	_ =	sdelay $0x1  }
0x86: {  	v3 =	vor.u32 $0xB, v1;
	_ =	sdelay $0x3  }
0x87: {  	[tilespmem:s30+$0x11B00] =	vst v2  }
0x88: {  	v2 =	vld.idx.msk [tilespmem:v3+s18+$0x0], $0xffff;
	_ =	sdelay $0x1  }
0x89: {  	v3 =	vor.u32 $0xC, v1;
	_ =	sdelay $0x3  }
0x8a: {  	[tilespmem:s30+$0x11B80] =	vst v2  }
0x8b: {  	v2 =	vld.idx.msk [tilespmem:v3+s18+$0x0], $0xffff;
	_ =	sdelay $0x1  }
0x8c: {  	v3 =	vor.u32 $0xD, v1;
	_ =	sdelay $0x3  }
0x8d: {  	[tilespmem:s30+$0x11C00] =	vst v2  }
0x8e: {  	v2 =	vld.idx.msk [tilespmem:v3+s18+$0x0], $0xffff;
	_ =	sdelay $0x1  }
0x8f: {  	v3 =	vor.u32 $0xE, v1;
	_ =	sdelay $0x3  }
0x90: {  	[tilespmem:s30+$0x11C80] =	vst v2  }
0x91: {  	v2 =	vld.idx.msk [tilespmem:v3+s18+$0x0], $0xffff;
	_ =	sdelay $0x1  }
0x92: {  	v1 =	vor.u32 $0xF, v1  }
.Ltmp1:
0x93: {  	(pc) =	sbr.rel @p0 .LBB2_4-.Ltmp1, $3  }
0x94: {  	_ =	sdelay $0x1  }
0x95: {  	[tilespmem:s30+$0x11D00] =	vst v2  }
0x96: {  	v1 =	vld.idx.msk [tilespmem:v1+s18+$0x0], $0xffff  }
0x97: {  	_ =	sdelay $0x3  }
0x98: {  	s0 =	simm.s32 $0x0;
	[tilespmem:s30+$0x11D80] =	vst v1  }
0x99: {  	[tilespmem:s16], [sflag:$0x2] =	stream.linear.gather [hbm4b:s8+s0], $0x200, $0x38;
	[tilespmem:$0x18A00] =	vst v63  }
0x9a: {  	_ =	swait.ge [sflag:s15], $0x200  }
0x9b: {  	[sflag:s15] =	ssyncset.done $0x0  }
0x9c: {  	s0 =	simm.s32 $0x0;
	[sflag:s15] =	ssyncadd.s32 $0xFFFFFE00  }
0x9d: {  	s2 =	simm.s32 $0x40;
	v1 =	vld [tilespmem:s0+$0x200]  }
.LBB2_6:
0x9e: {  	p0 =	sne.s32 s2, $0x7C0  }
.Ltmp2:
0x9f: {  	_ = 	snop;
	(pc) =	sbr.rel @p0 .LBB2_6-.Ltmp2, $3  }
0xa0: {  	_ =	sdelay $0x1  }
0xa1: {  	s20 =	sshra.s32 s2, $0x2;
	s2 =	sadd.s32 $0x40, s2;
	v2 =	vshra.s32 v1, $0x3  }
0xa2: {  	v1 =	vld [tilespmem:s20+$0x200];
	[tilespmem:s0+$0x800] =	vst v2;
	s0 =	smov.u32 s20  }
0xa3: {  	_ =	sdelay $0x3  }
0xa4: {  	v1 =	vshra.s32 v1, $0x3  }
0xa5: {  	s29 =	simm.s32 $0x200;
	[tilespmem:s0+$0x800] =	vst v1  }
0xa6: {  	[tilespmem:s18], [sflag:$0x1] =	stream.indirect.gather [hbm4b:s4+s29], $0x80, s17, s29, $0xb8;
	[tilespmem:$0x18A00] =	vst v63  }
0xa7: {  	_ =	swait.ge [sflag:s19], $0x10000  }
0xa8: {  	[sflag:s19] =	ssyncset.done $0x0  }
0xa9: {  	[sflag:s19] =	ssyncadd.s32 $0xFFFF0000  }
0xaa: {  	v1 =	vld [tilespmem:s29+$0x0];
	_ =	sdelay $0x2  }
0xab: {  	s30 =	simm.s32 $0x0  }
0xac: {  	v2 =	vmov s30  }
0xad: {  	v2 =	vshll.u32 v2, $0x7;
	v1 =	vshll.u32 v1, $0x4  }
0xae: {  	v2 =	vor.u32 v0, v2;
	v1 =	vand.u32 $0x70, v1  }
0xaf: {  	v1 =	vor.u32 v2, v1;
	_ =	sdelay $0x4  }
0xb0: {  	v2 =	vld.idx.msk [tilespmem:v1+s18+$0x0], $0xffff  }
0xb1: {  	v3 =	vor.u32 $0x1, v1;
	_ =	sdelay $0x1  }
0xb2: {  	s20 =	sand.u32 $0x70, s30;
	s2 =	sand.u32 $0xC00, s30  }
0xb3: {  	s31 =	sor.u32 s20, s2  }
0xb4: {  	[tilespmem:s31+$0x12A00] =	vst v2  }
0xb5: {  	v2 =	vld.idx.msk [tilespmem:v3+s18+$0x0], $0xffff  }
0xb6: {  	v3 =	vor.u32 $0x2, v1;
	_ =	sdelay $0x2  }
0xb7: {  	s0 =	sadd.s32 $0x12A00, s31  }
0xb8: {  	[tilespmem:s0+$0x80] =	vst v2  }
0xb9: {  	v2 =	vld.idx.msk [tilespmem:v3+s18+$0x0], $0xffff  }
0xba: {  	v3 =	vor.u32 $0x3, v1;
	_ =	sdelay $0x3  }
0xbb: {  	[tilespmem:s0+$0x100] =	vst v2  }
0xbc: {  	v2 =	vld.idx.msk [tilespmem:v3+s18+$0x0], $0xffff  }
0xbd: {  	v3 =	vor.u32 $0x4, v1;
	_ =	sdelay $0x3  }
0xbe: {  	[tilespmem:s0+$0x180] =	vst v2  }
0xbf: {  	v2 =	vld.idx.msk [tilespmem:v3+s18+$0x0], $0xffff  }
0xc0: {  	v3 =	vor.u32 $0x5, v1;
	_ =	sdelay $0x3  }
0xc1: {  	[tilespmem:s0+$0x200] =	vst v2  }
0xc2: {  	v2 =	vld.idx.msk [tilespmem:v3+s18+$0x0], $0xffff  }
0xc3: {  	v3 =	vor.u32 $0x6, v1;
	_ =	sdelay $0x3  }
0xc4: {  	[tilespmem:s0+$0x280] =	vst v2  }
0xc5: {  	v2 =	vld.idx.msk [tilespmem:v3+s18+$0x0], $0xffff  }
0xc6: {  	v3 =	vor.u32 $0x7, v1;
	_ =	sdelay $0x3  }
0xc7: {  	[tilespmem:s0+$0x300] =	vst v2  }
0xc8: {  	v2 =	vld.idx.msk [tilespmem:v3+s18+$0x0], $0xffff  }
0xc9: {  	v3 =	vor.u32 $0x8, v1;
	_ =	sdelay $0x1  }
0xca: {  	s20 =	sor.u32 s30, s30  }
0xcb: {  	s0 =	sor.u32 $0x380, s20  }
0xcc: {  	[tilespmem:s0+$0x12A00] =	vst v2  }
0xcd: {  	v2 =	vld.idx.msk [tilespmem:v3+s18+$0x0], $0xffff  }
0xce: {  	v3 =	vor.u32 $0x9, v1;
	_ =	sdelay $0x3  }
0xcf: {  	[tilespmem:s31+$0x13A00] =	vst v2  }
0xd0: {  	v2 =	vld.idx.msk [tilespmem:v3+s18+$0x0], $0xffff  }
0xd1: {  	v3 =	vor.u32 $0xA, v1;
	_ =	sdelay $0x3  }
0xd2: {  	[tilespmem:s31+$0x13A80] =	vst v2  }
0xd3: {  	v2 =	vld.idx.msk [tilespmem:v3+s18+$0x0], $0xffff  }
0xd4: {  	v3 =	vor.u32 $0xB, v1;
	_ =	sdelay $0x3  }
0xd5: {  	[tilespmem:s31+$0x13B00] =	vst v2  }
0xd6: {  	v2 =	vld.idx.msk [tilespmem:v3+s18+$0x0], $0xffff  }
0xd7: {  	v3 =	vor.u32 $0xC, v1;
	_ =	sdelay $0x3  }
0xd8: {  	[tilespmem:s31+$0x13B80] =	vst v2  }
0xd9: {  	v2 =	vld.idx.msk [tilespmem:v3+s18+$0x0], $0xffff  }
0xda: {  	v3 =	vor.u32 $0xD, v1;
	_ =	sdelay $0x3  }
0xdb: {  	[tilespmem:s31+$0x13C00] =	vst v2  }
0xdc: {  	v2 =	vld.idx.msk [tilespmem:v3+s18+$0x0], $0xffff  }
0xdd: {  	v3 =	vor.u32 $0xE, v1;
	_ =	sdelay $0x3  }
0xde: {  	[tilespmem:s31+$0x13C80] =	vst v2  }
0xdf: {  	v2 =	vld.idx.msk [tilespmem:v3+s18+$0x0], $0xffff  }
0xe0: {  	v1 =	vor.u32 $0xF, v1;
	_ =	sdelay $0x3  }
0xe1: {  	[tilespmem:s31+$0x13D00] =	vst v2  }
0xe2: {  	s0 =	simm.s32 $0x10;
	v1 =	vld.idx.msk [tilespmem:v1+s18+$0x0], $0xffff  }
.LBB2_8:
0xe3: {  	_ =	sdelay $0x3  }
0xe4: {  	p0 =	sne.s32 s0, $0x1F0;
	s30 =	sadd.s32 $0x80, s30;
	s29 =	sadd.s32 $0x10, s29;
	[tilespmem:s31+$0x13D80] =	vst v1  }
0xe5: {  	s2 =	smov.u32 s0;
	s0 =	sadd.s32 $0x10, s0;
	v1 =	vld [tilespmem:s29+$0x0];
	_ =	sdelay $0x3  }
0xe6: {  	v2 =	vmov s2  }
0xe7: {  	v2 =	vshll.u32 v2, $0x7;
	v1 =	vshll.u32 v1, $0x4  }
0xe8: {  	v2 =	vor.u32 v0, v2;
	v1 =	vand.u32 $0x70, v1  }
0xe9: {  	v1 =	vor.u32 v2, v1;
	_ =	sdelay $0x4  }
0xea: {  	v2 =	vld.idx.msk [tilespmem:v1+s18+$0x0], $0xffff;
	_ =	sdelay $0x1  }
0xeb: {  	v3 =	vor.u32 $0x1, v1;
	_ =	sdelay $0x1  }
0xec: {  	s20 =	sand.u32 $0x70, s2;
	s31 =	sand.u32 $0xC00, s30  }
0xed: {  	s31 =	sor.u32 s20, s31  }
0xee: {  	[tilespmem:s31+$0x12A00] =	vst v2  }
0xef: {  	v2 =	vld.idx.msk [tilespmem:v3+s18+$0x0], $0xffff;
	_ =	sdelay $0x1  }
0xf0: {  	v3 =	vor.u32 $0x2, v1;
	_ =	sdelay $0x2  }
0xf1: {  	s20 =	sadd.s32 $0x12A00, s31  }
0xf2: {  	[tilespmem:s20+$0x80] =	vst v2  }
0xf3: {  	v2 =	vld.idx.msk [tilespmem:v3+s18+$0x0], $0xffff;
	_ =	sdelay $0x1  }
0xf4: {  	v3 =	vor.u32 $0x3, v1;
	_ =	sdelay $0x3  }
0xf5: {  	[tilespmem:s20+$0x100] =	vst v2  }
0xf6: {  	v2 =	vld.idx.msk [tilespmem:v3+s18+$0x0], $0xffff;
	_ =	sdelay $0x1  }
0xf7: {  	v3 =	vor.u32 $0x4, v1;
	_ =	sdelay $0x3  }
0xf8: {  	[tilespmem:s20+$0x180] =	vst v2  }
0xf9: {  	v2 =	vld.idx.msk [tilespmem:v3+s18+$0x0], $0xffff;
	_ =	sdelay $0x1  }
0xfa: {  	v3 =	vor.u32 $0x5, v1;
	_ =	sdelay $0x3  }
0xfb: {  	[tilespmem:s20+$0x200] =	vst v2  }
0xfc: {  	v2 =	vld.idx.msk [tilespmem:v3+s18+$0x0], $0xffff;
	_ =	sdelay $0x1  }
0xfd: {  	v3 =	vor.u32 $0x6, v1;
	_ =	sdelay $0x3  }
0xfe: {  	[tilespmem:s20+$0x280] =	vst v2  }
0xff: {  	v2 =	vld.idx.msk [tilespmem:v3+s18+$0x0], $0xffff;
	_ =	sdelay $0x1  }
0x100: {  	v3 =	vor.u32 $0x7, v1;
	_ =	sdelay $0x3  }
0x101: {  	[tilespmem:s20+$0x300] =	vst v2  }
0x102: {  	v2 =	vld.idx.msk [tilespmem:v3+s18+$0x0], $0xffff;
	_ =	sdelay $0x1  }
0x103: {  	v3 =	vor.u32 $0x8, v1;
	_ =	sdelay $0x1  }
0x104: {  	s2 =	sor.u32 s30, s2  }
0x105: {  	s2 =	sor.u32 $0x380, s2  }
0x106: {  	[tilespmem:s2+$0x12A00] =	vst v2  }
0x107: {  	v2 =	vld.idx.msk [tilespmem:v3+s18+$0x0], $0xffff;
	_ =	sdelay $0x1  }
0x108: {  	v3 =	vor.u32 $0x9, v1;
	_ =	sdelay $0x3  }
0x109: {  	[tilespmem:s31+$0x13A00] =	vst v2  }
0x10a: {  	v2 =	vld.idx.msk [tilespmem:v3+s18+$0x0], $0xffff;
	_ =	sdelay $0x1  }
0x10b: {  	v3 =	vor.u32 $0xA, v1;
	_ =	sdelay $0x3  }
0x10c: {  	[tilespmem:s31+$0x13A80] =	vst v2  }
0x10d: {  	v2 =	vld.idx.msk [tilespmem:v3+s18+$0x0], $0xffff;
	_ =	sdelay $0x1  }
0x10e: {  	v3 =	vor.u32 $0xB, v1;
	_ =	sdelay $0x3  }
0x10f: {  	[tilespmem:s31+$0x13B00] =	vst v2  }
0x110: {  	v2 =	vld.idx.msk [tilespmem:v3+s18+$0x0], $0xffff;
	_ =	sdelay $0x1  }
0x111: {  	v3 =	vor.u32 $0xC, v1;
	_ =	sdelay $0x3  }
0x112: {  	[tilespmem:s31+$0x13B80] =	vst v2  }
0x113: {  	v2 =	vld.idx.msk [tilespmem:v3+s18+$0x0], $0xffff;
	_ =	sdelay $0x1  }
0x114: {  	v3 =	vor.u32 $0xD, v1;
	_ =	sdelay $0x3  }
0x115: {  	[tilespmem:s31+$0x13C00] =	vst v2  }
0x116: {  	v2 =	vld.idx.msk [tilespmem:v3+s18+$0x0], $0xffff;
	_ =	sdelay $0x1  }
0x117: {  	v3 =	vor.u32 $0xE, v1;
	_ =	sdelay $0x3  }
0x118: {  	[tilespmem:s31+$0x13C80] =	vst v2  }
0x119: {  	v2 =	vld.idx.msk [tilespmem:v3+s18+$0x0], $0xffff;
	_ =	sdelay $0x1  }
0x11a: {  	v1 =	vor.u32 $0xF, v1  }
.Ltmp3:
0x11b: {  	(pc) =	sbr.rel @p0 .LBB2_8-.Ltmp3, $3  }
0x11c: {  	_ =	sdelay $0x1  }
0x11d: {  	[tilespmem:s31+$0x13D00] =	vst v2  }
0x11e: {  	v1 =	vld.idx.msk [tilespmem:v1+s18+$0x0], $0xffff  }
0x11f: {  	_ =	sdelay $0x3  }
0x120: {  	s0 =	simm.s32 $0x0;
	s2 =	simm.s32 $0x400;
	[tilespmem:s31+$0x13D80] =	vst v1  }
0x121: {  	[tilespmem:s2], [sflag:$0x2] =	stream.linear.gather [hbm4b:s9+s0], $0x200, $0x38;
	[tilespmem:$0x18A00] =	vst v63  }
0x122: {  	_ =	swait.ge [sflag:s15], $0x200  }
0x123: {  	[sflag:s15] =	ssyncset.done $0x0  }
0x124: {  	s0 =	simm.s32 $0x0;
	[sflag:s15] =	ssyncadd.s32 $0xFFFFFE00  }
0x125: {  	s2 =	simm.s32 $0x40;
	v1 =	vld [tilespmem:s0+$0x400]  }
.LBB2_10:
0x126: {  	p0 =	sne.s32 s2, $0x7C0  }
.Ltmp4:
0x127: {  	_ = 	snop;
	(pc) =	sbr.rel @p0 .LBB2_10-.Ltmp4, $3  }
0x128: {  	_ =	sdelay $0x1  }
0x129: {  	s20 =	sshra.s32 s2, $0x2;
	s2 =	sadd.s32 $0x40, s2;
	v2 =	vshra.s32 v1, $0x3  }
0x12a: {  	v1 =	vld [tilespmem:s20+$0x400];
	[tilespmem:s0+$0x800] =	vst v2;
	s0 =	smov.u32 s20  }
0x12b: {  	_ =	sdelay $0x3  }
0x12c: {  	v1 =	vshra.s32 v1, $0x3  }
0x12d: {  	[tilespmem:s0+$0x800] =	vst v1  }
0x12e: {  	[tilespmem:s18], [sflag:$0x1] =	stream.indirect.gather [hbm4b:s5+s16], $0x80, s17, s16, $0xb8;
	[tilespmem:$0x18A00] =	vst v63  }
0x12f: {  	_ =	swait.ge [sflag:s19], $0x10000  }
0x130: {  	[sflag:s19] =	ssyncset.done $0x0  }
0x131: {  	s29 =	simm.s32 $0x400;
	[sflag:s19] =	ssyncadd.s32 $0xFFFF0000  }
0x132: {  	v1 =	vld [tilespmem:s29+$0x0];
	_ =	sdelay $0x2  }
0x133: {  	s30 =	simm.s32 $0x0  }
0x134: {  	v2 =	vmov s30  }
0x135: {  	v2 =	vshll.u32 v2, $0x7;
	v1 =	vshll.u32 v1, $0x4  }
0x136: {  	v2 =	vor.u32 v0, v2;
	v1 =	vand.u32 $0x70, v1  }
0x137: {  	v1 =	vor.u32 v2, v1;
	_ =	sdelay $0x4  }
0x138: {  	v2 =	vld.idx.msk [tilespmem:v1+s18+$0x0], $0xffff  }
0x139: {  	v3 =	vor.u32 $0x1, v1;
	_ =	sdelay $0x1  }
0x13a: {  	s20 =	sand.u32 $0x70, s30;
	s2 =	sand.u32 $0xC00, s30  }
0x13b: {  	s31 =	sor.u32 s20, s2  }
0x13c: {  	[tilespmem:s31+$0x14A00] =	vst v2  }
0x13d: {  	v2 =	vld.idx.msk [tilespmem:v3+s18+$0x0], $0xffff  }
0x13e: {  	v3 =	vor.u32 $0x2, v1;
	_ =	sdelay $0x2  }
0x13f: {  	s0 =	sadd.s32 $0x14A00, s31  }
0x140: {  	[tilespmem:s0+$0x80] =	vst v2  }
0x141: {  	v2 =	vld.idx.msk [tilespmem:v3+s18+$0x0], $0xffff  }
0x142: {  	v3 =	vor.u32 $0x3, v1;
	_ =	sdelay $0x3  }
0x143: {  	[tilespmem:s0+$0x100] =	vst v2  }
0x144: {  	v2 =	vld.idx.msk [tilespmem:v3+s18+$0x0], $0xffff  }
0x145: {  	v3 =	vor.u32 $0x4, v1;
	_ =	sdelay $0x3  }
0x146: {  	[tilespmem:s0+$0x180] =	vst v2  }
0x147: {  	v2 =	vld.idx.msk [tilespmem:v3+s18+$0x0], $0xffff  }
0x148: {  	v3 =	vor.u32 $0x5, v1;
	_ =	sdelay $0x3  }
0x149: {  	[tilespmem:s0+$0x200] =	vst v2  }
0x14a: {  	v2 =	vld.idx.msk [tilespmem:v3+s18+$0x0], $0xffff  }
0x14b: {  	v3 =	vor.u32 $0x6, v1;
	_ =	sdelay $0x3  }
0x14c: {  	[tilespmem:s0+$0x280] =	vst v2  }
0x14d: {  	v2 =	vld.idx.msk [tilespmem:v3+s18+$0x0], $0xffff  }
0x14e: {  	v3 =	vor.u32 $0x7, v1;
	_ =	sdelay $0x3  }
0x14f: {  	[tilespmem:s0+$0x300] =	vst v2  }
0x150: {  	v2 =	vld.idx.msk [tilespmem:v3+s18+$0x0], $0xffff  }
0x151: {  	v3 =	vor.u32 $0x8, v1;
	_ =	sdelay $0x1  }
0x152: {  	s20 =	sor.u32 s30, s30  }
0x153: {  	s0 =	sor.u32 $0x380, s20  }
0x154: {  	[tilespmem:s0+$0x14A00] =	vst v2  }
0x155: {  	v2 =	vld.idx.msk [tilespmem:v3+s18+$0x0], $0xffff  }
0x156: {  	v3 =	vor.u32 $0x9, v1;
	_ =	sdelay $0x3  }
0x157: {  	[tilespmem:s31+$0x15A00] =	vst v2  }
0x158: {  	v2 =	vld.idx.msk [tilespmem:v3+s18+$0x0], $0xffff  }
0x159: {  	v3 =	vor.u32 $0xA, v1;
	_ =	sdelay $0x3  }
0x15a: {  	[tilespmem:s31+$0x15A80] =	vst v2  }
0x15b: {  	v2 =	vld.idx.msk [tilespmem:v3+s18+$0x0], $0xffff  }
0x15c: {  	v3 =	vor.u32 $0xB, v1;
	_ =	sdelay $0x3  }
0x15d: {  	[tilespmem:s31+$0x15B00] =	vst v2  }
0x15e: {  	v2 =	vld.idx.msk [tilespmem:v3+s18+$0x0], $0xffff  }
0x15f: {  	v3 =	vor.u32 $0xC, v1;
	_ =	sdelay $0x3  }
0x160: {  	[tilespmem:s31+$0x15B80] =	vst v2  }
0x161: {  	v2 =	vld.idx.msk [tilespmem:v3+s18+$0x0], $0xffff  }
0x162: {  	v3 =	vor.u32 $0xD, v1;
	_ =	sdelay $0x3  }
0x163: {  	[tilespmem:s31+$0x15C00] =	vst v2  }
0x164: {  	v2 =	vld.idx.msk [tilespmem:v3+s18+$0x0], $0xffff  }
0x165: {  	v3 =	vor.u32 $0xE, v1;
	_ =	sdelay $0x3  }
0x166: {  	[tilespmem:s31+$0x15C80] =	vst v2  }
0x167: {  	v2 =	vld.idx.msk [tilespmem:v3+s18+$0x0], $0xffff  }
0x168: {  	v1 =	vor.u32 $0xF, v1;
	_ =	sdelay $0x3  }
0x169: {  	[tilespmem:s31+$0x15D00] =	vst v2  }
0x16a: {  	s0 =	simm.s32 $0x10;
	v1 =	vld.idx.msk [tilespmem:v1+s18+$0x0], $0xffff  }
.LBB2_12:
0x16b: {  	_ =	sdelay $0x3  }
0x16c: {  	p0 =	sne.s32 s0, $0x1F0;
	s30 =	sadd.s32 $0x80, s30;
	s29 =	sadd.s32 $0x10, s29;
	[tilespmem:s31+$0x15D80] =	vst v1  }
0x16d: {  	s2 =	smov.u32 s0;
	s0 =	sadd.s32 $0x10, s0;
	v1 =	vld [tilespmem:s29+$0x0];
	_ =	sdelay $0x3  }
0x16e: {  	v2 =	vmov s2  }
0x16f: {  	v2 =	vshll.u32 v2, $0x7;
	v1 =	vshll.u32 v1, $0x4  }
0x170: {  	v2 =	vor.u32 v0, v2;
	v1 =	vand.u32 $0x70, v1  }
0x171: {  	v1 =	vor.u32 v2, v1;
	_ =	sdelay $0x4  }
0x172: {  	v2 =	vld.idx.msk [tilespmem:v1+s18+$0x0], $0xffff;
	_ =	sdelay $0x1  }
0x173: {  	v3 =	vor.u32 $0x1, v1;
	_ =	sdelay $0x1  }
0x174: {  	s20 =	sand.u32 $0x70, s2;
	s31 =	sand.u32 $0xC00, s30  }
0x175: {  	s31 =	sor.u32 s20, s31  }
0x176: {  	[tilespmem:s31+$0x14A00] =	vst v2  }
0x177: {  	v2 =	vld.idx.msk [tilespmem:v3+s18+$0x0], $0xffff;
	_ =	sdelay $0x1  }
0x178: {  	v3 =	vor.u32 $0x2, v1;
	_ =	sdelay $0x2  }
0x179: {  	s20 =	sadd.s32 $0x14A00, s31  }
0x17a: {  	[tilespmem:s20+$0x80] =	vst v2  }
0x17b: {  	v2 =	vld.idx.msk [tilespmem:v3+s18+$0x0], $0xffff;
	_ =	sdelay $0x1  }
0x17c: {  	v3 =	vor.u32 $0x3, v1;
	_ =	sdelay $0x3  }
0x17d: {  	[tilespmem:s20+$0x100] =	vst v2  }
0x17e: {  	v2 =	vld.idx.msk [tilespmem:v3+s18+$0x0], $0xffff;
	_ =	sdelay $0x1  }
0x17f: {  	v3 =	vor.u32 $0x4, v1;
	_ =	sdelay $0x3  }
0x180: {  	[tilespmem:s20+$0x180] =	vst v2  }
0x181: {  	v2 =	vld.idx.msk [tilespmem:v3+s18+$0x0], $0xffff;
	_ =	sdelay $0x1  }
0x182: {  	v3 =	vor.u32 $0x5, v1;
	_ =	sdelay $0x3  }
0x183: {  	[tilespmem:s20+$0x200] =	vst v2  }
0x184: {  	v2 =	vld.idx.msk [tilespmem:v3+s18+$0x0], $0xffff;
	_ =	sdelay $0x1  }
0x185: {  	v3 =	vor.u32 $0x6, v1;
	_ =	sdelay $0x3  }
0x186: {  	[tilespmem:s20+$0x280] =	vst v2  }
0x187: {  	v2 =	vld.idx.msk [tilespmem:v3+s18+$0x0], $0xffff;
	_ =	sdelay $0x1  }
0x188: {  	v3 =	vor.u32 $0x7, v1;
	_ =	sdelay $0x3  }
0x189: {  	[tilespmem:s20+$0x300] =	vst v2  }
0x18a: {  	v2 =	vld.idx.msk [tilespmem:v3+s18+$0x0], $0xffff;
	_ =	sdelay $0x1  }
0x18b: {  	v3 =	vor.u32 $0x8, v1;
	_ =	sdelay $0x1  }
0x18c: {  	s2 =	sor.u32 s30, s2  }
0x18d: {  	s2 =	sor.u32 $0x380, s2  }
0x18e: {  	[tilespmem:s2+$0x14A00] =	vst v2  }
0x18f: {  	v2 =	vld.idx.msk [tilespmem:v3+s18+$0x0], $0xffff;
	_ =	sdelay $0x1  }
0x190: {  	v3 =	vor.u32 $0x9, v1;
	_ =	sdelay $0x3  }
0x191: {  	[tilespmem:s31+$0x15A00] =	vst v2  }
0x192: {  	v2 =	vld.idx.msk [tilespmem:v3+s18+$0x0], $0xffff;
	_ =	sdelay $0x1  }
0x193: {  	v3 =	vor.u32 $0xA, v1;
	_ =	sdelay $0x3  }
0x194: {  	[tilespmem:s31+$0x15A80] =	vst v2  }
0x195: {  	v2 =	vld.idx.msk [tilespmem:v3+s18+$0x0], $0xffff;
	_ =	sdelay $0x1  }
0x196: {  	v3 =	vor.u32 $0xB, v1;
	_ =	sdelay $0x3  }
0x197: {  	[tilespmem:s31+$0x15B00] =	vst v2  }
0x198: {  	v2 =	vld.idx.msk [tilespmem:v3+s18+$0x0], $0xffff;
	_ =	sdelay $0x1  }
0x199: {  	v3 =	vor.u32 $0xC, v1;
	_ =	sdelay $0x3  }
0x19a: {  	[tilespmem:s31+$0x15B80] =	vst v2  }
0x19b: {  	v2 =	vld.idx.msk [tilespmem:v3+s18+$0x0], $0xffff;
	_ =	sdelay $0x1  }
0x19c: {  	v3 =	vor.u32 $0xD, v1;
	_ =	sdelay $0x3  }
0x19d: {  	[tilespmem:s31+$0x15C00] =	vst v2  }
0x19e: {  	v2 =	vld.idx.msk [tilespmem:v3+s18+$0x0], $0xffff;
	_ =	sdelay $0x1  }
0x19f: {  	v3 =	vor.u32 $0xE, v1;
	_ =	sdelay $0x3  }
0x1a0: {  	[tilespmem:s31+$0x15C80] =	vst v2  }
0x1a1: {  	v2 =	vld.idx.msk [tilespmem:v3+s18+$0x0], $0xffff;
	_ =	sdelay $0x1  }
0x1a2: {  	v1 =	vor.u32 $0xF, v1  }
.Ltmp5:
0x1a3: {  	(pc) =	sbr.rel @p0 .LBB2_12-.Ltmp5, $3  }
0x1a4: {  	_ =	sdelay $0x1  }
0x1a5: {  	[tilespmem:s31+$0x15D00] =	vst v2  }
0x1a6: {  	v1 =	vld.idx.msk [tilespmem:v1+s18+$0x0], $0xffff  }
0x1a7: {  	_ =	sdelay $0x3  }
0x1a8: {  	s0 =	simm.s32 $0x0;
	[tilespmem:s31+$0x15D80] =	vst v1  }
0x1a9: {  	[tilespmem:s21], [sflag:$0x2] =	stream.linear.gather [hbm4b:s10+s0], $0x200, $0x38;
	[tilespmem:$0x18A00] =	vst v63  }
0x1aa: {  	_ =	swait.ge [sflag:s15], $0x200  }
0x1ab: {  	[sflag:s15] =	ssyncset.done $0x0  }
0x1ac: {  	s0 =	simm.s32 $0x0;
	[sflag:s15] =	ssyncadd.s32 $0xFFFFFE00  }
0x1ad: {  	s2 =	simm.s32 $0x40;
	v1 =	vld [tilespmem:s0+$0x600]  }
.LBB2_14:
0x1ae: {  	p0 =	sne.s32 s2, $0x7C0  }
.Ltmp6:
0x1af: {  	_ = 	snop;
	(pc) =	sbr.rel @p0 .LBB2_14-.Ltmp6, $3  }
0x1b0: {  	_ =	sdelay $0x1  }
0x1b1: {  	s20 =	sshra.s32 s2, $0x2;
	s2 =	sadd.s32 $0x40, s2;
	v2 =	vshra.s32 v1, $0x3  }
0x1b2: {  	v1 =	vld [tilespmem:s20+$0x600];
	[tilespmem:s0+$0x800] =	vst v2;
	s0 =	smov.u32 s20  }
0x1b3: {  	_ =	sdelay $0x3  }
0x1b4: {  	v1 =	vshra.s32 v1, $0x3  }
0x1b5: {  	[tilespmem:s0+$0x800] =	vst v1  }
0x1b6: {  	[tilespmem:s18], [sflag:$0x1] =	stream.indirect.gather [hbm4b:s6+s16], $0x80, s17, s16, $0xb8;
	[tilespmem:$0x18A00] =	vst v63  }
0x1b7: {  	_ =	swait.ge [sflag:s19], $0x10000  }
0x1b8: {  	[sflag:s19] =	ssyncset.done $0x0  }
0x1b9: {  	s29 =	simm.s32 $0x600;
	[sflag:s19] =	ssyncadd.s32 $0xFFFF0000  }
0x1ba: {  	v1 =	vld [tilespmem:s29+$0x0];
	_ =	sdelay $0x2  }
0x1bb: {  	s30 =	simm.s32 $0x0  }
0x1bc: {  	v2 =	vmov s30  }
0x1bd: {  	v2 =	vshll.u32 v2, $0x7;
	v1 =	vshll.u32 v1, $0x4  }
0x1be: {  	v2 =	vor.u32 v0, v2;
	v1 =	vand.u32 $0x70, v1  }
0x1bf: {  	v1 =	vor.u32 v2, v1;
	_ =	sdelay $0x4  }
0x1c0: {  	v2 =	vld.idx.msk [tilespmem:v1+s18+$0x0], $0xffff  }
0x1c1: {  	v3 =	vor.u32 $0x1, v1;
	_ =	sdelay $0x1  }
0x1c2: {  	s20 =	sand.u32 $0x70, s30;
	s2 =	sand.u32 $0xC00, s30  }
0x1c3: {  	s31 =	sor.u32 s20, s2  }
0x1c4: {  	[tilespmem:s31+$0x16A00] =	vst v2  }
0x1c5: {  	v2 =	vld.idx.msk [tilespmem:v3+s18+$0x0], $0xffff  }
0x1c6: {  	v3 =	vor.u32 $0x2, v1;
	_ =	sdelay $0x3  }
0x1c7: {  	[tilespmem:s31+$0x16A80] =	vst v2  }
0x1c8: {  	v2 =	vld.idx.msk [tilespmem:v3+s18+$0x0], $0xffff  }
0x1c9: {  	v3 =	vor.u32 $0x3, v1;
	_ =	sdelay $0x3  }
0x1ca: {  	[tilespmem:s31+$0x16B00] =	vst v2  }
0x1cb: {  	v2 =	vld.idx.msk [tilespmem:v3+s18+$0x0], $0xffff  }
0x1cc: {  	v3 =	vor.u32 $0x4, v1;
	_ =	sdelay $0x3  }
0x1cd: {  	[tilespmem:s31+$0x16B80] =	vst v2  }
0x1ce: {  	v2 =	vld.idx.msk [tilespmem:v3+s18+$0x0], $0xffff  }
0x1cf: {  	v3 =	vor.u32 $0x5, v1;
	_ =	sdelay $0x3  }
0x1d0: {  	[tilespmem:s31+$0x16C00] =	vst v2  }
0x1d1: {  	v2 =	vld.idx.msk [tilespmem:v3+s18+$0x0], $0xffff  }
0x1d2: {  	v3 =	vor.u32 $0x6, v1;
	_ =	sdelay $0x3  }
0x1d3: {  	[tilespmem:s31+$0x16C80] =	vst v2  }
0x1d4: {  	v2 =	vld.idx.msk [tilespmem:v3+s18+$0x0], $0xffff  }
0x1d5: {  	v3 =	vor.u32 $0x7, v1;
	_ =	sdelay $0x3  }
0x1d6: {  	[tilespmem:s31+$0x16D00] =	vst v2  }
0x1d7: {  	v2 =	vld.idx.msk [tilespmem:v3+s18+$0x0], $0xffff  }
0x1d8: {  	v3 =	vor.u32 $0x8, v1;
	_ =	sdelay $0x3  }
0x1d9: {  	[tilespmem:s31+$0x16D80] =	vst v2  }
0x1da: {  	v2 =	vld.idx.msk [tilespmem:v3+s18+$0x0], $0xffff  }
0x1db: {  	v3 =	vor.u32 $0x9, v1;
	_ =	sdelay $0x3  }
0x1dc: {  	[tilespmem:s31+$0x17A00] =	vst v2  }
0x1dd: {  	v2 =	vld.idx.msk [tilespmem:v3+s18+$0x0], $0xffff  }
0x1de: {  	v3 =	vor.u32 $0xA, v1;
	_ =	sdelay $0x3  }
0x1df: {  	[tilespmem:s31+$0x17A80] =	vst v2  }
0x1e0: {  	v2 =	vld.idx.msk [tilespmem:v3+s18+$0x0], $0xffff  }
0x1e1: {  	v3 =	vor.u32 $0xB, v1;
	_ =	sdelay $0x3  }
0x1e2: {  	[tilespmem:s31+$0x17B00] =	vst v2  }
0x1e3: {  	v2 =	vld.idx.msk [tilespmem:v3+s18+$0x0], $0xffff  }
0x1e4: {  	v3 =	vor.u32 $0xC, v1;
	_ =	sdelay $0x3  }
0x1e5: {  	[tilespmem:s31+$0x17B80] =	vst v2  }
0x1e6: {  	v2 =	vld.idx.msk [tilespmem:v3+s18+$0x0], $0xffff  }
0x1e7: {  	v3 =	vor.u32 $0xD, v1;
	_ =	sdelay $0x3  }
0x1e8: {  	[tilespmem:s31+$0x17C00] =	vst v2  }
0x1e9: {  	v2 =	vld.idx.msk [tilespmem:v3+s18+$0x0], $0xffff  }
0x1ea: {  	v3 =	vor.u32 $0xE, v1;
	_ =	sdelay $0x3  }
0x1eb: {  	[tilespmem:s31+$0x17C80] =	vst v2  }
0x1ec: {  	v2 =	vld.idx.msk [tilespmem:v3+s18+$0x0], $0xffff  }
0x1ed: {  	v1 =	vor.u32 $0xF, v1;
	_ =	sdelay $0x3  }
0x1ee: {  	[tilespmem:s31+$0x17D00] =	vst v2  }
0x1ef: {  	s0 =	simm.s32 $0x10;
	v1 =	vld.idx.msk [tilespmem:v1+s18+$0x0], $0xffff  }
.LBB2_16:
0x1f0: {  	_ =	sdelay $0x3  }
0x1f1: {  	p0 =	sne.s32 s0, $0x1F0;
	s30 =	sadd.s32 $0x80, s30;
	s29 =	sadd.s32 $0x10, s29;
	[tilespmem:s31+$0x17D80] =	vst v1  }
0x1f2: {  	s2 =	smov.u32 s0;
	s0 =	sadd.s32 $0x10, s0;
	v1 =	vld [tilespmem:s29+$0x0];
	_ =	sdelay $0x3  }
0x1f3: {  	v2 =	vmov s2  }
0x1f4: {  	v2 =	vshll.u32 v2, $0x7;
	v1 =	vshll.u32 v1, $0x4  }
0x1f5: {  	v2 =	vor.u32 v0, v2;
	v1 =	vand.u32 $0x70, v1  }
0x1f6: {  	v1 =	vor.u32 v2, v1;
	_ =	sdelay $0x4  }
0x1f7: {  	v2 =	vld.idx.msk [tilespmem:v1+s18+$0x0], $0xffff;
	_ =	sdelay $0x1  }
0x1f8: {  	v3 =	vor.u32 $0x1, v1;
	_ =	sdelay $0x1  }
0x1f9: {  	s2 =	sand.u32 $0x70, s2;
	s20 =	sand.u32 $0xC00, s30  }
0x1fa: {  	s31 =	sor.u32 s2, s20  }
0x1fb: {  	[tilespmem:s31+$0x16A00] =	vst v2  }
0x1fc: {  	v2 =	vld.idx.msk [tilespmem:v3+s18+$0x0], $0xffff;
	_ =	sdelay $0x1  }
0x1fd: {  	v3 =	vor.u32 $0x2, v1;
	_ =	sdelay $0x3  }
0x1fe: {  	[tilespmem:s31+$0x16A80] =	vst v2  }
0x1ff: {  	v2 =	vld.idx.msk [tilespmem:v3+s18+$0x0], $0xffff;
	_ =	sdelay $0x1  }
0x200: {  	v3 =	vor.u32 $0x3, v1;
	_ =	sdelay $0x3  }
0x201: {  	[tilespmem:s31+$0x16B00] =	vst v2  }
0x202: {  	v2 =	vld.idx.msk [tilespmem:v3+s18+$0x0], $0xffff;
	_ =	sdelay $0x1  }
0x203: {  	v3 =	vor.u32 $0x4, v1;
	_ =	sdelay $0x3  }
0x204: {  	[tilespmem:s31+$0x16B80] =	vst v2  }
0x205: {  	v2 =	vld.idx.msk [tilespmem:v3+s18+$0x0], $0xffff;
	_ =	sdelay $0x1  }
0x206: {  	v3 =	vor.u32 $0x5, v1;
	_ =	sdelay $0x3  }
0x207: {  	[tilespmem:s31+$0x16C00] =	vst v2  }
0x208: {  	v2 =	vld.idx.msk [tilespmem:v3+s18+$0x0], $0xffff;
	_ =	sdelay $0x1  }
0x209: {  	v3 =	vor.u32 $0x6, v1;
	_ =	sdelay $0x3  }
0x20a: {  	[tilespmem:s31+$0x16C80] =	vst v2  }
0x20b: {  	v2 =	vld.idx.msk [tilespmem:v3+s18+$0x0], $0xffff;
	_ =	sdelay $0x1  }
0x20c: {  	v3 =	vor.u32 $0x7, v1;
	_ =	sdelay $0x3  }
0x20d: {  	[tilespmem:s31+$0x16D00] =	vst v2  }
0x20e: {  	v2 =	vld.idx.msk [tilespmem:v3+s18+$0x0], $0xffff;
	_ =	sdelay $0x1  }
0x20f: {  	v3 =	vor.u32 $0x8, v1;
	_ =	sdelay $0x3  }
0x210: {  	[tilespmem:s31+$0x16D80] =	vst v2  }
0x211: {  	v2 =	vld.idx.msk [tilespmem:v3+s18+$0x0], $0xffff;
	_ =	sdelay $0x1  }
0x212: {  	v3 =	vor.u32 $0x9, v1;
	_ =	sdelay $0x3  }
0x213: {  	[tilespmem:s31+$0x17A00] =	vst v2  }
0x214: {  	v2 =	vld.idx.msk [tilespmem:v3+s18+$0x0], $0xffff;
	_ =	sdelay $0x1  }
0x215: {  	v3 =	vor.u32 $0xA, v1;
	_ =	sdelay $0x3  }
0x216: {  	[tilespmem:s31+$0x17A80] =	vst v2  }
0x217: {  	v2 =	vld.idx.msk [tilespmem:v3+s18+$0x0], $0xffff;
	_ =	sdelay $0x1  }
0x218: {  	v3 =	vor.u32 $0xB, v1;
	_ =	sdelay $0x3  }
0x219: {  	[tilespmem:s31+$0x17B00] =	vst v2  }
0x21a: {  	v2 =	vld.idx.msk [tilespmem:v3+s18+$0x0], $0xffff;
	_ =	sdelay $0x1  }
0x21b: {  	v3 =	vor.u32 $0xC, v1;
	_ =	sdelay $0x3  }
0x21c: {  	[tilespmem:s31+$0x17B80] =	vst v2  }
0x21d: {  	v2 =	vld.idx.msk [tilespmem:v3+s18+$0x0], $0xffff;
	_ =	sdelay $0x1  }
0x21e: {  	v3 =	vor.u32 $0xD, v1;
	_ =	sdelay $0x3  }
0x21f: {  	[tilespmem:s31+$0x17C00] =	vst v2  }
0x220: {  	v2 =	vld.idx.msk [tilespmem:v3+s18+$0x0], $0xffff;
	_ =	sdelay $0x1  }
0x221: {  	v3 =	vor.u32 $0xE, v1;
	_ =	sdelay $0x3  }
0x222: {  	[tilespmem:s31+$0x17C80] =	vst v2  }
0x223: {  	v2 =	vld.idx.msk [tilespmem:v3+s18+$0x0], $0xffff;
	_ =	sdelay $0x1  }
0x224: {  	v1 =	vor.u32 $0xF, v1  }
.Ltmp7:
0x225: {  	(pc) =	sbr.rel @p0 .LBB2_16-.Ltmp7, $3  }
0x226: {  	_ =	sdelay $0x1  }
0x227: {  	[tilespmem:s31+$0x17D00] =	vst v2  }
0x228: {  	v1 =	vld.idx.msk [tilespmem:v1+s18+$0x0], $0xffff  }
0x229: {  	_ =	sdelay $0x3  }
0x22a: {  	[tilespmem:s31+$0x17D80] =	vst v1  }
0x22b: {  	[hbm4b:s11+s22] =	stream.strided.scatter [tilespmem:s24], [sflag:$0x2], $0x2000, s23, s22, $0x38;
	[tilespmem:$0x18A00] =	vst v63  }
0x22c: {  	_ =	swait.ge [sflag:s15], $0x2000  }
0x22d: {  	[sflag:s15] =	ssyncset.done $0x0  }
0x22e: {  	[sflag:s15] =	ssyncadd.s32 $0xFFFFE000  }
0x22f: {  	[hbm4b:s12+s22] =	stream.strided.scatter [tilespmem:s25], [sflag:$0x2], $0x2000, s23, s22, $0x38;
	[tilespmem:$0x18A00] =	vst v63  }
0x230: {  	s28 =	sadd.s32 $0x1, s28;
	_ =	swait.ge [sflag:s15], $0x2000  }
0x231: {  	p0 =	sne.s32 s28, s14;
	[sflag:s15] =	ssyncset.done $0x0  }
.Ltmp8:
0x232: {  	[sflag:s15] =	ssyncadd.s32 $0xFFFFE000;
	(pc) =	sbr.rel @p0 .LBB2_1-.Ltmp8, $4  }
0x233: {  	[hbm4b:s13+s22] =	stream.strided.scatter [tilespmem:s26], [sflag:$0x2], $0x4000, s23, s22, $0x38;
	[tilespmem:$0x18A00] =	vst v63  }
0x234: {  	_ =	swait.ge [sflag:s15], $0x4000  }
0x235: {  	[sflag:s15] =	ssyncset.done $0x0  }
0x236: {  	[sflag:s15] =	ssyncadd.s32 $0xFFFFC000  }
0x237: {  	_ =	sfence.sel $0x180000  }
0x238: {  	[bflag:$0x0] =	sbarrier.arrive $0xFFFF  }
0x239: {  	_ =	strace $0x90000047  }
0x23a: {  	s0 =	stileid.u32;
	[bflag:$0x2] =	sbarrier.arrive $0xFFFF  }
0x23b: {  	p0 =	sne.s32 s0, $0x0;
	s0 =	rddreg [dreg:$0x5]  }
0x23c: {  	s0 =	sadd.s32 @!p0 $0x100000, s0  }
0x23d: {  	[sflag:s0] =	ssyncadd.tile.s32 @!p0 $0x1;
	_ =	shalt  }
.Lfunc_end2:
_tile_overlayer_lowered:
.L_overlay_start_2:
0x23e: {  	(tag) =	ssettag $0x2  }
0x23f: {  	s0 =	rddreg [dreg:$0x0];
	s2 =	stileid.u32  }
0x240: {  	s1 =	rddreg [dreg:$0x1];
	p0 =	sne.s32 s2, $0x0  }
0x241: {  	s3 =	rddreg [dreg:$0x2];
	[bflag:$0x3] =	sbarrier.arrive $0xFFFF;
	s2 =	simm.s32 @!p0 $0x1C02  }
0x242: {  	[timem:s3], [sflag:s2] =	dma.local @!p0 [hbm:s0], s1  }
0x243: {  	s0 =	simm.s32 @!p0 $0x2  }
0x244: {  	_ =	swait.ge @!p0 [sflag:s0], s1  }
0x245: {  	s1 =	ssub.s32 @!p0 $0x0, s1;
	[sflag:s0] =	ssyncset.done @!p0 $0x0  }
0x246: {  	[sflag:s0] =	ssyncadd.s32 @!p0 s1  }
0x247: {  	[bflag:$0x3] =	sbarrier.arrive $0xFFFF  }
0x248: {  	_ =	shalt  }

</sc_bundles>
